<compile_context>
chip_gen: v7x
topology: tpu7x:2x2x1
jax: 0.10.2.dev20260603
libtpu: 0.0.44.dev20260713+nightly
codegen_flags: <defaults>
</compile_context>

<pallas_src>
import functools

import jax
import jax.numpy as jnp
from jax import lax
from jax.experimental import pallas as pl
from jax.experimental.pallas import tpu as pltpu
from jax.experimental.pallas import tpu_sc as plsc

NCORE = 2
NSUB = 16
NW = NCORE * NSUB
K = 128
TRASH = 240
ROW_BLK = 1000
DEG_W = 16


def _sc_mesh():
    return plsc.VectorSubcoreMesh(core_axis_name="c", subcore_axis_name="s")


def _make_deg(C, n_acc):
    rpt = n_acc // NSUB

    @functools.partial(
        pl.kernel,
        out_type=jax.ShapeDtypeStruct((NCORE, n_acc, DEG_W), jnp.float32),
        mesh=_sc_mesh(),
        scratch_types=[
            pltpu.VMEM_SHARED((n_acc, DEG_W), jnp.float32),
            pltpu.VMEM((K,), jnp.int32),
            pltpu.VMEM((K, DEG_W), jnp.float32),
            pltpu.VMEM((K, DEG_W), jnp.float32),
        ],
    )
    def deg_k(dsti_hbm, ones_hbm, zeros_hbm, out_hbm, acc, dv, ones_v,
              zeros_v):
        cid = lax.axis_index("c")
        sid = lax.axis_index("s")

        pltpu.sync_copy(zeros_hbm, zeros_v)
        pltpu.sync_copy(ones_hbm, ones_v)

        @pl.loop(0, rpt, step=K)
        def _(r):
            pltpu.sync_copy(zeros_v, acc.at[pl.ds(sid * rpt + r, K)])

        plsc.subcore_barrier()

        @pl.loop(0, C)
        def _(c):
            pltpu.sync_copy(dsti_hbm.at[cid, sid, c], dv)
            pltpu.sync_copy(ones_v, acc.at[dv], add=True)

        plsc.subcore_barrier()
        pltpu.sync_copy(acc.at[pl.ds(sid * rpt, rpt)],
                        out_hbm.at[cid, pl.ds(sid * rpt, rpt)])

    return deg_k


def _make_prop(F, C, n_acc):
    rpt = n_acc // NSUB

    @functools.partial(
        pl.kernel,
        out_type=jax.ShapeDtypeStruct((NCORE, n_acc, F), jnp.float32),
        mesh=_sc_mesh(),
        scratch_types=[
            pltpu.VMEM_SHARED((n_acc, F), jnp.float32),
            pltpu.VMEM((K,), jnp.int32),
            pltpu.VMEM((K,), jnp.int32),
            pltpu.VMEM((K, F), jnp.float32),
            pltpu.VMEM((K, F), jnp.float32),
            pltpu.SemaphoreType.DMA,
        ],
    )
    def prop_k(y_hbm, srci_hbm, dsti_hbm, zeros_hbm, out_hbm,
               acc, siv, div, rows, zeros_v, sem):
        cid = lax.axis_index("c")
        sid = lax.axis_index("s")

        pltpu.sync_copy(zeros_hbm, zeros_v)

        @pl.loop(0, rpt, step=K)
        def _(r):
            pltpu.sync_copy(zeros_v, acc.at[pl.ds(sid * rpt + r, K)])

        plsc.subcore_barrier()

        @pl.loop(0, C)
        def _(c):
            pltpu.sync_copy(srci_hbm.at[cid, sid, c], siv)
            pltpu.sync_copy(dsti_hbm.at[cid, sid, c], div)
            pltpu.async_copy(y_hbm.at[siv], rows, sem).wait()
            pltpu.sync_copy(rows, acc.at[div], add=True)

        plsc.subcore_barrier()
        pltpu.sync_copy(acc.at[pl.ds(sid * rpt, rpt)],
                        out_hbm.at[cid, pl.ds(sid * rpt, rpt)])

    return prop_k


def _mm_body(x_ref, w_ref, o_ref):
    o_ref[...] = jnp.dot(x_ref[...], w_ref[...],
                         preferred_element_type=jnp.float32)


def _y1_body(degp_ref, xw_ref, y_ref, dinv_ref):
    deg = degp_ref[0, :, 0:1] + degp_ref[1, :, 0:1] + 1.0
    dinv = lax.rsqrt(deg)
    dinv_ref[...] = dinv
    y_ref[...] = dinv * xw_ref[...]


def _mid_body(p_ref, y_ref, dinv_ref, w_ref, o_ref, *, leaky):
    dinv = dinv_ref[...]
    w_in = w_ref.shape[0]
    t = dinv * (p_ref[0][:, :w_in] + p_ref[1][:, :w_in] +
                y_ref[...][:, :w_in])
    if leaky:
        t = jnp.where(t >= 0, t, 0.3 * t)
    else:
        t = jnp.maximum(t, 0.0)
    res = dinv * jnp.dot(t, w_ref[...], preferred_element_type=jnp.float32)
    pad = o_ref.shape[1] - res.shape[1]
    if pad:
        res = jnp.concatenate(
            [res, jnp.zeros((res.shape[0], pad), jnp.float32)], axis=1)
    o_ref[...] = res


def _fin_body(p_ref, y_ref, dinv_ref, bmv_ref, gi_ref, o_ref, pool_ref, acc_ref):
    i = pl.program_id(0)
    dinv = dinv_ref[...]
    w = bmv_ref.shape[1]
    out = dinv * (p_ref[0][:, :w] + p_ref[1][:, :w] +
                  y_ref[...][:, :w]) + bmv_ref[...]
    o_ref[...] = out

    @pl.when(i == 0)
    def _():
        acc_ref[...] = jnp.zeros_like(acc_ref)

    onehot = (gi_ref[...] == lax.broadcasted_iota(
        jnp.int32, (ROW_BLK, 64), 1)).astype(jnp.float32)
    m33 = jnp.concatenate(
        [out[:, :32], jnp.ones((ROW_BLK, 1), jnp.float32)], axis=1)
    acc_ref[...] += lax.dot_general(
        onehot, m33, (((0,), (0,)), ((), ())),
        preferred_element_type=jnp.float32)

    @pl.when(i == pl.num_programs(0) - 1)
    def _():
        a = acc_ref[...]
        pool_ref[...] = a[:, :32] / jnp.maximum(a[:, 32:33], 1.0)


def kernel(x, edge_index, graph_index, W1, W2, Wm, bm, Wv, bv):
    n, d = x.shape
    e = edge_index.shape[1]
    h1 = W1.shape[1]
    h2 = W2.shape[1]
    z2 = Wm.shape[1] + Wv.shape[1]
    src, dst = edge_index[0], edge_index[1]

    C = -(-e // (NW * K))
    C = -(-C // 2) * 2
    pad = NW * C * K - e
    n_acc = n + TRASH
    assert n_acc % (NSUB * K) == 0
    ar = jnp.arange(pad, dtype=jnp.int32)
    src_p = jnp.concatenate([src, (ar * 131) % n])
    dst_p = jnp.concatenate([dst, n + (ar % TRASH)])
    srci = src_p.reshape(NCORE, NSUB, C, K)
    dsti = dst_p.reshape(NCORE, NSUB, C, K)

    zeros_deg = jnp.zeros((K, DEG_W), jnp.float32)
    ones_deg = jnp.ones((K, DEG_W), jnp.float32)
    zeros_h1 = jnp.zeros((K, h1), jnp.float32)
    zeros_h2 = jnp.zeros((K, h2), jnp.float32)

    grid = (n // ROW_BLK,)

    degp = _make_deg(C, n_acc)(dsti, ones_deg, zeros_deg)

    xw1 = pl.pallas_call(
        _mm_body,
        grid=grid,
        in_specs=[pl.BlockSpec((ROW_BLK, d), lambda i: (i, 0)),
                  pl.BlockSpec((d, h1), lambda i: (0, 0))],
        out_specs=pl.BlockSpec((ROW_BLK, h1), lambda i: (i, 0)),
        out_shape=jax.ShapeDtypeStruct((n, h1), jnp.float32),
    )(x, W1)

    y1, dinv = pl.pallas_call(
        _y1_body,
        grid=grid,
        in_specs=[pl.BlockSpec((NCORE, ROW_BLK, DEG_W), lambda i: (0, i, 0)),
                  pl.BlockSpec((ROW_BLK, h1), lambda i: (i, 0))],
        out_specs=[pl.BlockSpec((ROW_BLK, h1), lambda i: (i, 0)),
                   pl.BlockSpec((ROW_BLK, 1), lambda i: (i, 0))],
        out_shape=[jax.ShapeDtypeStruct((n, h1), jnp.float32),
                   jax.ShapeDtypeStruct((n, 1), jnp.float32)],
    )(degp, xw1)

    p1 = _make_prop(h1, C, n_acc)(y1, srci, dsti, zeros_h1)

    y2 = pl.pallas_call(
        functools.partial(_mid_body, leaky=True),
        grid=grid,
        in_specs=[pl.BlockSpec((NCORE, ROW_BLK, h1), lambda i: (0, i, 0)),
                  pl.BlockSpec((ROW_BLK, h1), lambda i: (i, 0)),
                  pl.BlockSpec((ROW_BLK, 1), lambda i: (i, 0)),
                  pl.BlockSpec((h1, h2), lambda i: (0, 0))],
        out_specs=pl.BlockSpec((ROW_BLK, h1), lambda i: (i, 0)),
        out_shape=jax.ShapeDtypeStruct((n, h1), jnp.float32),
    )(p1, y1, dinv, W2)

    p2 = _make_prop(h1, C, n_acc)(y2, srci, dsti, zeros_h1)

    Wmv = jnp.concatenate([Wm, Wv], axis=1)
    y3 = pl.pallas_call(
        functools.partial(_mid_body, leaky=False),
        grid=grid,
        in_specs=[pl.BlockSpec((NCORE, ROW_BLK, h1), lambda i: (0, i, 0)),
                  pl.BlockSpec((ROW_BLK, h1), lambda i: (i, 0)),
                  pl.BlockSpec((ROW_BLK, 1), lambda i: (i, 0)),
                  pl.BlockSpec((h2, z2), lambda i: (0, 0))],
        out_specs=pl.BlockSpec((ROW_BLK, h1), lambda i: (i, 0)),
        out_shape=jax.ShapeDtypeStruct((n, h1), jnp.float32),
    )(p2, y2, dinv, Wmv)

    p3 = _make_prop(h1, C, n_acc)(y3, srci, dsti, zeros_h1)

    bmv = jnp.concatenate([bm, bv]).reshape(1, z2)
    gi = graph_index.reshape(n, 1)
    out, pool = pl.pallas_call(
        _fin_body,
        grid=grid,
        in_specs=[pl.BlockSpec((NCORE, ROW_BLK, h1), lambda i: (0, i, 0)),
                  pl.BlockSpec((ROW_BLK, h1), lambda i: (i, 0)),
                  pl.BlockSpec((ROW_BLK, 1), lambda i: (i, 0)),
                  pl.BlockSpec((1, z2), lambda i: (0, 0)),
                  pl.BlockSpec((ROW_BLK, 1), lambda i: (i, 0))],
        out_specs=[pl.BlockSpec((ROW_BLK, z2), lambda i: (i, 0)),
                   pl.BlockSpec((64, 32), lambda i: (0, 0))],
        out_shape=[jax.ShapeDtypeStruct((n, z2), jnp.float32),
                   jax.ShapeDtypeStruct((64, 32), jnp.float32)],
        scratch_shapes=[pltpu.VMEM((64, 33), jnp.float32)],
    )(p3, y3, dinv, bmv, gi)

    return out[:, :32], out[:, 32:], pool

# --- scband reference (transcript-rebuilt; emitter-appended) ---
"""Pipeline reference for scband-gnn-encoder-7851200218009 (READ-ONLY COPY).

The authoritative reference and input builder live on the scoring server;
editing this copy changes nothing except your own understanding.
"""

import jax, jax.numpy as jnp
import numpy as np

N = 10000
E = 320000
D = 128
H1 = 128
H2 = 64
Z = 32
G = 64


def _gcn_conv(x, W, src, dst, n, b=None):
    # PyG GCNConv: out = D^{-1/2} (A + I) D^{-1/2} (x @ W) (+ b)
    xw = x @ W
    loop = jnp.arange(n, dtype=src.dtype)
    s = jnp.concatenate([src, loop])
    d = jnp.concatenate([dst, loop])
    deg = jax.ops.segment_sum(jnp.ones((s.shape[0],), dtype=xw.dtype), d, num_segments=n)
    dinv = jnp.where(deg > 0, jax.lax.rsqrt(jnp.maximum(deg, 1e-12)), 0.0)
    norm = dinv[s] * dinv[d]
    out = jax.ops.segment_sum(xw[s] * norm[:, None], d, num_segments=n)
    if b is not None:
        out = out + b
    return out


def setup_inputs(seed: int = 0):
    key = jax.random.key(seed)
    ks = jax.random.split(key, 9)
    return {
        "x": jax.random.normal(ks[0], (N, D), dtype=jnp.float32),
        "edge_index": jax.random.randint(ks[1], (2, E), 0, N, dtype=jnp.int32),
        "graph_index": jnp.sort(jax.random.randint(ks[2], (N,), 0, G, dtype=jnp.int32)),
        "W1": jax.random.normal(ks[3], (D, H1), dtype=jnp.float32) * (1.0 / np.sqrt(D)),
        "W2": jax.random.normal(ks[4], (H1, H2), dtype=jnp.float32) * (1.0 / np.sqrt(H1)),
        "Wm": jax.random.normal(ks[5], (H2, Z), dtype=jnp.float32) * (1.0 / np.sqrt(H2)),
        "bm": jnp.zeros((Z,), dtype=jnp.float32),
        "Wv": jax.random.normal(ks[6], (H2, Z), dtype=jnp.float32) * (1.0 / np.sqrt(H2)),
        "bv": jnp.zeros((Z,), dtype=jnp.float32),
    }


def reference(x, edge_index, graph_index, W1, W2, Wm, bm, Wv, bv):
    src, dst = edge_index[0], edge_index[1]
    # self.GNN: GCNConv -> LeakyReLU(0.3) -> Dropout(0.0) -> GCNConv -> LeakyReLU(0.3) -> Dropout(0.0)
    h = _gcn_conv(x, W1, src, dst, N)
    h = jax.nn.leaky_relu(h, negative_slope=0.3)
    h = _gcn_conv(h, W2, src, dst, N)
    h = jax.nn.leaky_relu(h, negative_slope=0.3)
    # .relu() after GNN
    h = jax.nn.relu(h)
    mean = _gcn_conv(h, Wm, src, dst, N, bm)
    logvar = _gcn_conv(h, Wv, src, dst, N, bv)
    # scatter_mean over graph_index
    cnt = jax.ops.segment_sum(jnp.ones((N,), dtype=mean.dtype), graph_index, num_segments=G)
    mean_pool = jax.ops.segment_sum(mean, graph_index, num_segments=G) / jnp.maximum(cnt, 1.0)[:, None]
    return (mean, logvar, mean_pool)

if __name__ == "__main__":
    import jax
    _d = setup_inputs()
    print(jax.jit(kernel)(*tuple(_d.values())))

</pallas_src>

<mosaic_0001>
#map = affine_map<(d0, d1) -> (0, 0)>
#map1 = affine_map<(d0, d1) -> (0, 0, 0, 0)>
#map2 = affine_map<(d0, d1) -> (0, 0, 0)>
module attributes {stable_mosaic.version = 14 : i64} {
  func.func @prop_k(%arg0: i32, %arg1: i32, %arg2: memref<10000x128xf32, #tpu.memory_space<hbm>>, %arg3: memref<2x16x80x128xi32, #tpu.memory_space<hbm>>, %arg4: memref<2x16x80x128xi32, #tpu.memory_space<hbm>>, %arg5: memref<128x128xf32, #tpu.memory_space<hbm>>, %arg6: memref<2x10240x128xf32, #tpu.memory_space<hbm>>, %arg7: memref<10240x128xf32, #tpu.memory_space<vmem_shared>>, %arg8: memref<128xi32, #tpu.memory_space<vmem>>, %arg9: memref<128xi32, #tpu.memory_space<vmem>>, %arg10: memref<128x128xf32, #tpu.memory_space<vmem>>, %arg11: memref<128x128xf32, #tpu.memory_space<vmem>>, %arg12: memref<!tpu.dma_semaphore, #tpu.memory_space<semaphore_mem>>) attributes {dimension_semantics = [#tpu.dimension_semantics<core_parallel>, #tpu.dimension_semantics<subcore_parallel>], iteration_bounds = array<i64: 2, 16>, scalar_prefetch = 0 : i64, scratch_operands = 6 : i64, tpu.core_type = #tpu.core_type<sc_vector_subcore>, window_params = [{transform_indices = #map}, {transform_indices = #map1}, {transform_indices = #map1}, {transform_indices = #map}, {transform_indices = #map2}]} {
    "tpu.region"() ({
      %run_scoped3A = tpu.sem_alloc : memref<!tpu.dma_semaphore, #tpu.memory_space<semaphore_mem>>
      tpu.enqueue_dma source(%arg5 : memref<128x128xf32, #tpu.memory_space<hbm>>) target(%arg11 : memref<128x128xf32, #tpu.memory_space<vmem>>) target_semaphore(%run_scoped3A : memref<!tpu.dma_semaphore, #tpu.memory_space<semaphore_mem>>)
      tpu.wait_dma2 semaphore(%run_scoped3A : memref<!tpu.dma_semaphore, #tpu.memory_space<semaphore_mem>>) src(%arg5 : memref<128x128xf32, #tpu.memory_space<hbm>>) dst(%arg11 : memref<128x128xf32, #tpu.memory_space<vmem>>)
      tpu.yield
    }) : () -> ()
    %scan3A = arith.constant 0 : i32
    %scan3A_0 = arith.constant 5 : i32
    %scan3A_1 = arith.addi %scan3A, %scan3A_0 : i32
    %scan3A_2 = arith.constant 1 : i32
    scf.for %scan3A_13 = %scan3A to %scan3A_1 step %scan3A_2  : i32 {
      %mul3A_14 = arith.constant 128 : i32
      %mul3A_15 = arith.muli %scan3A_13, %mul3A_14 : i32
      %add3A = arith.constant 0 : i32
      %add3A_16 = arith.addi %add3A, %mul3A_15 : i32
      %mul3A_17 = arith.constant 640 : i32
      %mul3A_18 = arith.muli %arg1, %mul3A_17 : i32
      %add3A_19 = arith.addi %mul3A_18, %add3A_16 : i32
      "tpu.region"() ({
        %run_scoped3A = tpu.sem_alloc : memref<!tpu.dma_semaphore, #tpu.memory_space<semaphore_mem>>
        %dma_start3A = arith.constant 0 : i32
        %dma_start3A_20 = tpu.memref_slice %arg7[%add3A_19, %dma_start3A] : memref<10240x128xf32, #tpu.memory_space<vmem_shared>> -> memref<128x128xf32, #tpu.memory_space<vmem_shared>>
        %dma_start3A_21 = arith.constant 0 : i32
        %dma_start3A_22 = tpu.memref_slice %arg7[%add3A_19, %dma_start3A_21] : memref<10240x128xf32, #tpu.memory_space<vmem_shared>> -> memref<128x128xf32, #tpu.memory_space<vmem_shared>>
        tpu.enqueue_dma source(%arg11 : memref<128x128xf32, #tpu.memory_space<vmem>>) target(%dma_start3A_22 : memref<128x128xf32, #tpu.memory_space<vmem_shared>>) target_semaphore(%run_scoped3A : memref<!tpu.dma_semaphore, #tpu.memory_space<semaphore_mem>>)
        %dma_wait3A = arith.constant 0 : i32
        %dma_wait3A_23 = tpu.memref_slice %arg7[%add3A_19, %dma_wait3A] : memref<10240x128xf32, #tpu.memory_space<vmem_shared>> -> memref<128x128xf32, #tpu.memory_space<vmem_shared>>
        %dma_wait3A_24 = arith.constant 0 : i32
        %dma_wait3A_25 = tpu.memref_slice %arg7[%add3A_19, %dma_wait3A_24] : memref<10240x128xf32, #tpu.memory_space<vmem_shared>> -> memref<128x128xf32, #tpu.memory_space<vmem_shared>>
        tpu.wait_dma2 semaphore(%run_scoped3A : memref<!tpu.dma_semaphore, #tpu.memory_space<semaphore_mem>>) src(%arg11 : memref<128x128xf32, #tpu.memory_space<vmem>>) dst(%dma_wait3A_25 : memref<128x128xf32, #tpu.memory_space<vmem_shared>>)
        tpu.yield
      }) : () -> ()
    }
    %scan3A_3 = arith.constant 5 : i32
    %barrier3A = arith.constant 0 : index
    tpu.barrier barrier_id(%barrier3A)
    %scan3A_4 = arith.constant 0 : i32
    %scan3A_5 = arith.constant 80 : i32
    %scan3A_6 = arith.addi %scan3A_4, %scan3A_5 : i32
    %scan3A_7 = arith.constant 1 : i32
    scf.for %scan3A_13 = %scan3A_4 to %scan3A_6 step %scan3A_7  : i32 {
      %mul3A_14 = arith.constant 1 : i32
      %mul3A_15 = arith.muli %scan3A_13, %mul3A_14 : i32
      %add3A = arith.constant 0 : i32
      %add3A_16 = arith.addi %add3A, %mul3A_15 : i32
      "tpu.region"() ({
        %run_scoped3A = tpu.sem_alloc : memref<!tpu.dma_semaphore, #tpu.memory_space<semaphore_mem>>
        %dma_start3A_21 = arith.constant 0 : i32
        %dma_start3A_22 = tpu.memref_slice %arg3[%arg0, %arg1, %add3A_16, %dma_start3A_21] : memref<2x16x80x128xi32, #tpu.memory_space<hbm>> -> memref<1x1x1x128xi32, #tpu.memory_space<hbm>>
        %dma_start3A_23 = tpu.memref_squeeze %dma_start3A_22 : memref<1x1x1x128xi32, #tpu.memory_space<hbm>> -> memref<128xi32, #tpu.memory_space<hbm>>
        %dma_start3A_24 = arith.constant 0 : i32
        %dma_start3A_25 = tpu.memref_slice %arg3[%arg0, %arg1, %add3A_16, %dma_start3A_24] : memref<2x16x80x128xi32, #tpu.memory_space<hbm>> -> memref<1x1x1x128xi32, #tpu.memory_space<hbm>>
        %dma_start3A_26 = tpu.memref_squeeze %dma_start3A_25 : memref<1x1x1x128xi32, #tpu.memory_space<hbm>> -> memref<128xi32, #tpu.memory_space<hbm>>
        tpu.enqueue_dma source(%dma_start3A_26 : memref<128xi32, #tpu.memory_space<hbm>>) target(%arg8 : memref<128xi32, #tpu.memory_space<vmem>>) target_semaphore(%run_scoped3A : memref<!tpu.dma_semaphore, #tpu.memory_space<semaphore_mem>>)
        %dma_wait3A_27 = arith.constant 0 : i32
        %dma_wait3A_28 = tpu.memref_slice %arg3[%arg0, %arg1, %add3A_16, %dma_wait3A_27] : memref<2x16x80x128xi32, #tpu.memory_space<hbm>> -> memref<1x1x1x128xi32, #tpu.memory_space<hbm>>
        %dma_wait3A_29 = tpu.memref_squeeze %dma_wait3A_28 : memref<1x1x1x128xi32, #tpu.memory_space<hbm>> -> memref<128xi32, #tpu.memory_space<hbm>>
        %dma_wait3A_30 = arith.constant 0 : i32
        %dma_wait3A_31 = tpu.memref_slice %arg3[%arg0, %arg1, %add3A_16, %dma_wait3A_30] : memref<2x16x80x128xi32, #tpu.memory_space<hbm>> -> memref<1x1x1x128xi32, #tpu.memory_space<hbm>>
        %dma_wait3A_32 = tpu.memref_squeeze %dma_wait3A_31 : memref<1x1x1x128xi32, #tpu.memory_space<hbm>> -> memref<128xi32, #tpu.memory_space<hbm>>
        tpu.wait_dma2 semaphore(%run_scoped3A : memref<!tpu.dma_semaphore, #tpu.memory_space<semaphore_mem>>) src(%dma_wait3A_32 : memref<128xi32, #tpu.memory_space<hbm>>) dst(%arg8 : memref<128xi32, #tpu.memory_space<vmem>>)
        tpu.yield
      }) : () -> ()
      "tpu.region"() ({
        %run_scoped3A = tpu.sem_alloc : memref<!tpu.dma_semaphore, #tpu.memory_space<semaphore_mem>>
        %dma_start3A_21 = arith.constant 0 : i32
        %dma_start3A_22 = tpu.memref_slice %arg4[%arg0, %arg1, %add3A_16, %dma_start3A_21] : memref<2x16x80x128xi32, #tpu.memory_space<hbm>> -> memref<1x1x1x128xi32, #tpu.memory_space<hbm>>
        %dma_start3A_23 = tpu.memref_squeeze %dma_start3A_22 : memref<1x1x1x128xi32, #tpu.memory_space<hbm>> -> memref<128xi32, #tpu.memory_space<hbm>>
        %dma_start3A_24 = arith.constant 0 : i32
        %dma_start3A_25 = tpu.memref_slice %arg4[%arg0, %arg1, %add3A_16, %dma_start3A_24] : memref<2x16x80x128xi32, #tpu.memory_space<hbm>> -> memref<1x1x1x128xi32, #tpu.memory_space<hbm>>
        %dma_start3A_26 = tpu.memref_squeeze %dma_start3A_25 : memref<1x1x1x128xi32, #tpu.memory_space<hbm>> -> memref<128xi32, #tpu.memory_space<hbm>>
        tpu.enqueue_dma source(%dma_start3A_26 : memref<128xi32, #tpu.memory_space<hbm>>) target(%arg9 : memref<128xi32, #tpu.memory_space<vmem>>) target_semaphore(%run_scoped3A : memref<!tpu.dma_semaphore, #tpu.memory_space<semaphore_mem>>)
        %dma_wait3A_27 = arith.constant 0 : i32
        %dma_wait3A_28 = tpu.memref_slice %arg4[%arg0, %arg1, %add3A_16, %dma_wait3A_27] : memref<2x16x80x128xi32, #tpu.memory_space<hbm>> -> memref<1x1x1x128xi32, #tpu.memory_space<hbm>>
        %dma_wait3A_29 = tpu.memref_squeeze %dma_wait3A_28 : memref<1x1x1x128xi32, #tpu.memory_space<hbm>> -> memref<128xi32, #tpu.memory_space<hbm>>
        %dma_wait3A_30 = arith.constant 0 : i32
        %dma_wait3A_31 = tpu.memref_slice %arg4[%arg0, %arg1, %add3A_16, %dma_wait3A_30] : memref<2x16x80x128xi32, #tpu.memory_space<hbm>> -> memref<1x1x1x128xi32, #tpu.memory_space<hbm>>
        %dma_wait3A_32 = tpu.memref_squeeze %dma_wait3A_31 : memref<1x1x1x128xi32, #tpu.memory_space<hbm>> -> memref<128xi32, #tpu.memory_space<hbm>>
        tpu.wait_dma2 semaphore(%run_scoped3A : memref<!tpu.dma_semaphore, #tpu.memory_space<semaphore_mem>>) src(%dma_wait3A_32 : memref<128xi32, #tpu.memory_space<hbm>>) dst(%arg9 : memref<128xi32, #tpu.memory_space<vmem>>)
        tpu.yield
      }) : () -> ()
      %dma_start3A = arith.constant 0 : i32
      %dma_start3A_17 = arith.constant 0 : i32
      %dma_start3A_18 = tpu.memref_slice %arg2[%dma_start3A, %dma_start3A_17] : memref<10000x128xf32, #tpu.memory_space<hbm>> -> memref<10000x128xf32, #tpu.memory_space<hbm>>
      tpu.enqueue_indirect_dma source(%dma_start3A_18 : memref<10000x128xf32, #tpu.memory_space<hbm>>) target(%arg10 : memref<128x128xf32, #tpu.memory_space<vmem>>) offsets(%arg8 : memref<128xi32, #tpu.memory_space<vmem>>) semaphore(%arg12 : memref<!tpu.dma_semaphore, #tpu.memory_space<semaphore_mem>>)
      %dma_wait3A = arith.constant 0 : i32
      %dma_wait3A_19 = arith.constant 0 : i32
      %dma_wait3A_20 = tpu.memref_slice %arg2[%dma_wait3A, %dma_wait3A_19] : memref<10000x128xf32, #tpu.memory_space<hbm>> -> memref<10000x128xf32, #tpu.memory_space<hbm>>
      tpu.wait_indirect_dma semaphore(%arg12 : memref<!tpu.dma_semaphore, #tpu.memory_space<semaphore_mem>>) src(%dma_wait3A_20 : memref<10000x128xf32, #tpu.memory_space<hbm>>) dst(%arg10 : memref<128x128xf32, #tpu.memory_space<vmem>>)
      "tpu.region"() ({
        %run_scoped3A = tpu.sem_alloc : memref<!tpu.dma_semaphore, #tpu.memory_space<semaphore_mem>>
        %dma_start3A_21 = arith.constant 0 : i32
        %dma_start3A_22 = arith.constant 0 : i32
        %dma_start3A_23 = tpu.memref_slice %arg7[%dma_start3A_21, %dma_start3A_22] : memref<10240x128xf32, #tpu.memory_space<vmem_shared>> -> memref<10240x128xf32, #tpu.memory_space<vmem_shared>>
        tpu.enqueue_indirect_dma source(%arg10 : memref<128x128xf32, #tpu.memory_space<vmem>>) target(%dma_start3A_23 : memref<10240x128xf32, #tpu.memory_space<vmem_shared>>) offsets(%arg9 : memref<128xi32, #tpu.memory_space<vmem>>) semaphore(%run_scoped3A : memref<!tpu.dma_semaphore, #tpu.memory_space<semaphore_mem>>) {add = true}
        %dma_wait3A_24 = arith.constant 0 : i32
        %dma_wait3A_25 = arith.constant 0 : i32
        %dma_wait3A_26 = tpu.memref_slice %arg7[%dma_wait3A_24, %dma_wait3A_25] : memref<10240x128xf32, #tpu.memory_space<vmem_shared>> -> memref<10240x128xf32, #tpu.memory_space<vmem_shared>>
        tpu.wait_indirect_dma semaphore(%run_scoped3A : memref<!tpu.dma_semaphore, #tpu.memory_space<semaphore_mem>>) src(%arg10 : memref<128x128xf32, #tpu.memory_space<vmem>>) dst(%dma_wait3A_26 : memref<10240x128xf32, #tpu.memory_space<vmem_shared>>)
        tpu.yield
      }) : () -> ()
    }
    %scan3A_8 = arith.constant 80 : i32
    %barrier3A_9 = arith.constant 0 : index
    tpu.barrier barrier_id(%barrier3A_9)
    %mul3A = arith.constant 640 : i32
    %mul3A_10 = arith.muli %arg1, %mul3A : i32
    %mul3A_11 = arith.constant 640 : i32
    %mul3A_12 = arith.muli %arg1, %mul3A_11 : i32
    "tpu.region"() ({
      %run_scoped3A = tpu.sem_alloc : memref<!tpu.dma_semaphore, #tpu.memory_space<semaphore_mem>>
      %dma_start3A = arith.constant 0 : i32
      %dma_start3A_13 = tpu.memref_slice %arg6[%arg0, %mul3A_12, %dma_start3A] : memref<2x10240x128xf32, #tpu.memory_space<hbm>> -> memref<1x640x128xf32, #tpu.memory_space<hbm>>
      %dma_start3A_14 = tpu.memref_squeeze %dma_start3A_13 : memref<1x640x128xf32, #tpu.memory_space<hbm>> -> memref<640x128xf32, #tpu.memory_space<hbm>>
      %dma_start3A_15 = arith.constant 0 : i32
      %dma_start3A_16 = tpu.memref_slice %arg7[%mul3A_10, %dma_start3A_15] : memref<10240x128xf32, #tpu.memory_space<vmem_shared>> -> memref<640x128xf32, #tpu.memory_space<vmem_shared>>
      tpu.enqueue_dma source(%dma_start3A_16 : memref<640x128xf32, #tpu.memory_space<vmem_shared>>) target(%dma_start3A_14 : memref<640x128xf32, #tpu.memory_space<hbm>>) target_semaphore(%run_scoped3A : memref<!tpu.dma_semaphore, #tpu.memory_space<semaphore_mem>>)
      %dma_wait3A = arith.constant 0 : i32
      %dma_wait3A_17 = tpu.memref_slice %arg6[%arg0, %mul3A_12, %dma_wait3A] : memref<2x10240x128xf32, #tpu.memory_space<hbm>> -> memref<1x640x128xf32, #tpu.memory_space<hbm>>
      %dma_wait3A_18 = tpu.memref_squeeze %dma_wait3A_17 : memref<1x640x128xf32, #tpu.memory_space<hbm>> -> memref<640x128xf32, #tpu.memory_space<hbm>>
      %dma_wait3A_19 = arith.constant 0 : i32
      %dma_wait3A_20 = tpu.memref_slice %arg7[%mul3A_10, %dma_wait3A_19] : memref<10240x128xf32, #tpu.memory_space<vmem_shared>> -> memref<640x128xf32, #tpu.memory_space<vmem_shared>>
      tpu.wait_dma2 semaphore(%run_scoped3A : memref<!tpu.dma_semaphore, #tpu.memory_space<semaphore_mem>>) src(%dma_wait3A_20 : memref<640x128xf32, #tpu.memory_space<vmem_shared>>) dst(%dma_wait3A_18 : memref<640x128xf32, #tpu.memory_space<hbm>>)
      tpu.yield
    }) : () -> ()
    return
  }
}

#map = affine_map<(d0, d1) -> (0, 0, 0, 0)>
#map1 = affine_map<(d0, d1) -> (0, 0)>
#map2 = affine_map<(d0, d1) -> (0, 0, 0)>
module attributes {stable_mosaic.version = 14 : i64} {
  func.func @deg_k(%arg0: i32, %arg1: i32, %arg2: memref<2x16x80x128xi32, #tpu.memory_space<hbm>>, %arg3: memref<128x16xf32, #tpu.memory_space<hbm>>, %arg4: memref<128x16xf32, #tpu.memory_space<hbm>>, %arg5: memref<2x10240x16xf32, #tpu.memory_space<hbm>>, %arg6: memref<10240x16xf32, #tpu.memory_space<vmem_shared>>, %arg7: memref<128xi32, #tpu.memory_space<vmem>>, %arg8: memref<128x16xf32, #tpu.memory_space<vmem>>, %arg9: memref<128x16xf32, #tpu.memory_space<vmem>>) attributes {dimension_semantics = [#tpu.dimension_semantics<core_parallel>, #tpu.dimension_semantics<subcore_parallel>], iteration_bounds = array<i64: 2, 16>, scalar_prefetch = 0 : i64, scratch_operands = 4 : i64, tpu.core_type = #tpu.core_type<sc_vector_subcore>, window_params = [{transform_indices = #map}, {transform_indices = #map1}, {transform_indices = #map1}, {transform_indices = #map2}]} {
    "tpu.region"() ({
      %run_scoped3A = tpu.sem_alloc : memref<!tpu.dma_semaphore, #tpu.memory_space<semaphore_mem>>
      tpu.enqueue_dma source(%arg4 : memref<128x16xf32, #tpu.memory_space<hbm>>) target(%arg9 : memref<128x16xf32, #tpu.memory_space<vmem>>) target_semaphore(%run_scoped3A : memref<!tpu.dma_semaphore, #tpu.memory_space<semaphore_mem>>)
      tpu.wait_dma2 semaphore(%run_scoped3A : memref<!tpu.dma_semaphore, #tpu.memory_space<semaphore_mem>>) src(%arg4 : memref<128x16xf32, #tpu.memory_space<hbm>>) dst(%arg9 : memref<128x16xf32, #tpu.memory_space<vmem>>)
      tpu.yield
    }) : () -> ()
    "tpu.region"() ({
      %run_scoped3A = tpu.sem_alloc : memref<!tpu.dma_semaphore, #tpu.memory_space<semaphore_mem>>
      tpu.enqueue_dma source(%arg3 : memref<128x16xf32, #tpu.memory_space<hbm>>) target(%arg8 : memref<128x16xf32, #tpu.memory_space<vmem>>) target_semaphore(%run_scoped3A : memref<!tpu.dma_semaphore, #tpu.memory_space<semaphore_mem>>)
      tpu.wait_dma2 semaphore(%run_scoped3A : memref<!tpu.dma_semaphore, #tpu.memory_space<semaphore_mem>>) src(%arg3 : memref<128x16xf32, #tpu.memory_space<hbm>>) dst(%arg8 : memref<128x16xf32, #tpu.memory_space<vmem>>)
      tpu.yield
    }) : () -> ()
    %scan3A = arith.constant 0 : i32
    %scan3A_0 = arith.constant 5 : i32
    %scan3A_1 = arith.addi %scan3A, %scan3A_0 : i32
    %scan3A_2 = arith.constant 1 : i32
    scf.for %scan3A_13 = %scan3A to %scan3A_1 step %scan3A_2  : i32 {
      %mul3A_14 = arith.constant 128 : i32
      %mul3A_15 = arith.muli %scan3A_13, %mul3A_14 : i32
      %add3A = arith.constant 0 : i32
      %add3A_16 = arith.addi %add3A, %mul3A_15 : i32
      %mul3A_17 = arith.constant 640 : i32
      %mul3A_18 = arith.muli %arg1, %mul3A_17 : i32
      %add3A_19 = arith.addi %mul3A_18, %add3A_16 : i32
      "tpu.region"() ({
        %run_scoped3A = tpu.sem_alloc : memref<!tpu.dma_semaphore, #tpu.memory_space<semaphore_mem>>
        %dma_start3A = arith.constant 0 : i32
        %dma_start3A_20 = tpu.memref_slice %arg6[%add3A_19, %dma_start3A] : memref<10240x16xf32, #tpu.memory_space<vmem_shared>> -> memref<128x16xf32, #tpu.memory_space<vmem_shared>>
        %dma_start3A_21 = arith.constant 0 : i32
        %dma_start3A_22 = tpu.memref_slice %arg6[%add3A_19, %dma_start3A_21] : memref<10240x16xf32, #tpu.memory_space<vmem_shared>> -> memref<128x16xf32, #tpu.memory_space<vmem_shared>>
        tpu.enqueue_dma source(%arg9 : memref<128x16xf32, #tpu.memory_space<vmem>>) target(%dma_start3A_22 : memref<128x16xf32, #tpu.memory_space<vmem_shared>>) target_semaphore(%run_scoped3A : memref<!tpu.dma_semaphore, #tpu.memory_space<semaphore_mem>>)
        %dma_wait3A = arith.constant 0 : i32
        %dma_wait3A_23 = tpu.memref_slice %arg6[%add3A_19, %dma_wait3A] : memref<10240x16xf32, #tpu.memory_space<vmem_shared>> -> memref<128x16xf32, #tpu.memory_space<vmem_shared>>
        %dma_wait3A_24 = arith.constant 0 : i32
        %dma_wait3A_25 = tpu.memref_slice %arg6[%add3A_19, %dma_wait3A_24] : memref<10240x16xf32, #tpu.memory_space<vmem_shared>> -> memref<128x16xf32, #tpu.memory_space<vmem_shared>>
        tpu.wait_dma2 semaphore(%run_scoped3A : memref<!tpu.dma_semaphore, #tpu.memory_space<semaphore_mem>>) src(%arg9 : memref<128x16xf32, #tpu.memory_space<vmem>>) dst(%dma_wait3A_25 : memref<128x16xf32, #tpu.memory_space<vmem_shared>>)
        tpu.yield
      }) : () -> ()
    }
    %scan3A_3 = arith.constant 5 : i32
    %barrier3A = arith.constant 0 : index
    tpu.barrier barrier_id(%barrier3A)
    %scan3A_4 = arith.constant 0 : i32
    %scan3A_5 = arith.constant 80 : i32
    %scan3A_6 = arith.addi %scan3A_4, %scan3A_5 : i32
    %scan3A_7 = arith.constant 1 : i32
    scf.for %scan3A_13 = %scan3A_4 to %scan3A_6 step %scan3A_7  : i32 {
      %mul3A_14 = arith.constant 1 : i32
      %mul3A_15 = arith.muli %scan3A_13, %mul3A_14 : i32
      %add3A = arith.constant 0 : i32
      %add3A_16 = arith.addi %add3A, %mul3A_15 : i32
      "tpu.region"() ({
        %run_scoped3A = tpu.sem_alloc : memref<!tpu.dma_semaphore, #tpu.memory_space<semaphore_mem>>
        %dma_start3A = arith.constant 0 : i32
        %dma_start3A_17 = tpu.memref_slice %arg2[%arg0, %arg1, %add3A_16, %dma_start3A] : memref<2x16x80x128xi32, #tpu.memory_space<hbm>> -> memref<1x1x1x128xi32, #tpu.memory_space<hbm>>
        %dma_start3A_18 = tpu.memref_squeeze %dma_start3A_17 : memref<1x1x1x128xi32, #tpu.memory_space<hbm>> -> memref<128xi32, #tpu.memory_space<hbm>>
        %dma_start3A_19 = arith.constant 0 : i32
        %dma_start3A_20 = tpu.memref_slice %arg2[%arg0, %arg1, %add3A_16, %dma_start3A_19] : memref<2x16x80x128xi32, #tpu.memory_space<hbm>> -> memref<1x1x1x128xi32, #tpu.memory_space<hbm>>
        %dma_start3A_21 = tpu.memref_squeeze %dma_start3A_20 : memref<1x1x1x128xi32, #tpu.memory_space<hbm>> -> memref<128xi32, #tpu.memory_space<hbm>>
        tpu.enqueue_dma source(%dma_start3A_21 : memref<128xi32, #tpu.memory_space<hbm>>) target(%arg7 : memref<128xi32, #tpu.memory_space<vmem>>) target_semaphore(%run_scoped3A : memref<!tpu.dma_semaphore, #tpu.memory_space<semaphore_mem>>)
        %dma_wait3A = arith.constant 0 : i32
        %dma_wait3A_22 = tpu.memref_slice %arg2[%arg0, %arg1, %add3A_16, %dma_wait3A] : memref<2x16x80x128xi32, #tpu.memory_space<hbm>> -> memref<1x1x1x128xi32, #tpu.memory_space<hbm>>
        %dma_wait3A_23 = tpu.memref_squeeze %dma_wait3A_22 : memref<1x1x1x128xi32, #tpu.memory_space<hbm>> -> memref<128xi32, #tpu.memory_space<hbm>>
        %dma_wait3A_24 = arith.constant 0 : i32
        %dma_wait3A_25 = tpu.memref_slice %arg2[%arg0, %arg1, %add3A_16, %dma_wait3A_24] : memref<2x16x80x128xi32, #tpu.memory_space<hbm>> -> memref<1x1x1x128xi32, #tpu.memory_space<hbm>>
        %dma_wait3A_26 = tpu.memref_squeeze %dma_wait3A_25 : memref<1x1x1x128xi32, #tpu.memory_space<hbm>> -> memref<128xi32, #tpu.memory_space<hbm>>
        tpu.wait_dma2 semaphore(%run_scoped3A : memref<!tpu.dma_semaphore, #tpu.memory_space<semaphore_mem>>) src(%dma_wait3A_26 : memref<128xi32, #tpu.memory_space<hbm>>) dst(%arg7 : memref<128xi32, #tpu.memory_space<vmem>>)
        tpu.yield
      }) : () -> ()
      "tpu.region"() ({
        %run_scoped3A = tpu.sem_alloc : memref<!tpu.dma_semaphore, #tpu.memory_space<semaphore_mem>>
        %dma_start3A = arith.constant 0 : i32
        %dma_start3A_17 = arith.constant 0 : i32
        %dma_start3A_18 = tpu.memref_slice %arg6[%dma_start3A, %dma_start3A_17] : memref<10240x16xf32, #tpu.memory_space<vmem_shared>> -> memref<10240x16xf32, #tpu.memory_space<vmem_shared>>
        tpu.enqueue_indirect_dma source(%arg8 : memref<128x16xf32, #tpu.memory_space<vmem>>) target(%dma_start3A_18 : memref<10240x16xf32, #tpu.memory_space<vmem_shared>>) offsets(%arg7 : memref<128xi32, #tpu.memory_space<vmem>>) semaphore(%run_scoped3A : memref<!tpu.dma_semaphore, #tpu.memory_space<semaphore_mem>>) {add = true}
        %dma_wait3A = arith.constant 0 : i32
        %dma_wait3A_19 = arith.constant 0 : i32
        %dma_wait3A_20 = tpu.memref_slice %arg6[%dma_wait3A, %dma_wait3A_19] : memref<10240x16xf32, #tpu.memory_space<vmem_shared>> -> memref<10240x16xf32, #tpu.memory_space<vmem_shared>>
        tpu.wait_indirect_dma semaphore(%run_scoped3A : memref<!tpu.dma_semaphore, #tpu.memory_space<semaphore_mem>>) src(%arg8 : memref<128x16xf32, #tpu.memory_space<vmem>>) dst(%dma_wait3A_20 : memref<10240x16xf32, #tpu.memory_space<vmem_shared>>)
        tpu.yield
      }) : () -> ()
    }
    %scan3A_8 = arith.constant 80 : i32
    %barrier3A_9 = arith.constant 0 : index
    tpu.barrier barrier_id(%barrier3A_9)
    %mul3A = arith.constant 640 : i32
    %mul3A_10 = arith.muli %arg1, %mul3A : i32
    %mul3A_11 = arith.constant 640 : i32
    %mul3A_12 = arith.muli %arg1, %mul3A_11 : i32
    "tpu.region"() ({
      %run_scoped3A = tpu.sem_alloc : memref<!tpu.dma_semaphore, #tpu.memory_space<semaphore_mem>>
      %dma_start3A = arith.constant 0 : i32
      %dma_start3A_13 = tpu.memref_slice %arg5[%arg0, %mul3A_12, %dma_start3A] : memref<2x10240x16xf32, #tpu.memory_space<hbm>> -> memref<1x640x16xf32, #tpu.memory_space<hbm>>
      %dma_start3A_14 = tpu.memref_squeeze %dma_start3A_13 : memref<1x640x16xf32, #tpu.memory_space<hbm>> -> memref<640x16xf32, #tpu.memory_space<hbm>>
      %dma_start3A_15 = arith.constant 0 : i32
      %dma_start3A_16 = tpu.memref_slice %arg6[%mul3A_10, %dma_start3A_15] : memref<10240x16xf32, #tpu.memory_space<vmem_shared>> -> memref<640x16xf32, #tpu.memory_space<vmem_shared>>
      tpu.enqueue_dma source(%dma_start3A_16 : memref<640x16xf32, #tpu.memory_space<vmem_shared>>) target(%dma_start3A_14 : memref<640x16xf32, #tpu.memory_space<hbm>>) target_semaphore(%run_scoped3A : memref<!tpu.dma_semaphore, #tpu.memory_space<semaphore_mem>>)
      %dma_wait3A = arith.constant 0 : i32
      %dma_wait3A_17 = tpu.memref_slice %arg5[%arg0, %mul3A_12, %dma_wait3A] : memref<2x10240x16xf32, #tpu.memory_space<hbm>> -> memref<1x640x16xf32, #tpu.memory_space<hbm>>
      %dma_wait3A_18 = tpu.memref_squeeze %dma_wait3A_17 : memref<1x640x16xf32, #tpu.memory_space<hbm>> -> memref<640x16xf32, #tpu.memory_space<hbm>>
      %dma_wait3A_19 = arith.constant 0 : i32
      %dma_wait3A_20 = tpu.memref_slice %arg6[%mul3A_10, %dma_wait3A_19] : memref<10240x16xf32, #tpu.memory_space<vmem_shared>> -> memref<640x16xf32, #tpu.memory_space<vmem_shared>>
      tpu.wait_dma2 semaphore(%run_scoped3A : memref<!tpu.dma_semaphore, #tpu.memory_space<semaphore_mem>>) src(%dma_wait3A_20 : memref<640x16xf32, #tpu.memory_space<vmem_shared>>) dst(%dma_wait3A_18 : memref<640x16xf32, #tpu.memory_space<hbm>>)
      tpu.yield
    }) : () -> ()
    return
  }
}

#map = affine_map<(d0, d1) -> (0, 0)>
#map1 = affine_map<(d0, d1) -> (0, 0, 0, 0)>
#map2 = affine_map<(d0, d1) -> (0, 0, 0)>
module attributes {stable_mosaic.version = 14 : i64} {
  func.func @prop_k(%arg0: i32, %arg1: i32, %arg2: memref<10000x128xf32, #tpu.memory_space<hbm>>, %arg3: memref<2x16x80x128xi32, #tpu.memory_space<hbm>>, %arg4: memref<2x16x80x128xi32, #tpu.memory_space<hbm>>, %arg5: memref<128x128xf32, #tpu.memory_space<hbm>>, %arg6: memref<2x10240x128xf32, #tpu.memory_space<hbm>>, %arg7: memref<10240x128xf32, #tpu.memory_space<vmem_shared>>, %arg8: memref<128xi32, #tpu.memory_space<vmem>>, %arg9: memref<128xi32, #tpu.memory_space<vmem>>, %arg10: memref<128x128xf32, #tpu.memory_space<vmem>>, %arg11: memref<128x128xf32, #tpu.memory_space<vmem>>, %arg12: memref<!tpu.dma_semaphore, #tpu.memory_space<semaphore_mem>>) attributes {dimension_semantics = [#tpu.dimension_semantics<core_parallel>, #tpu.dimension_semantics<subcore_parallel>], iteration_bounds = array<i64: 2, 16>, scalar_prefetch = 0 : i64, scratch_operands = 6 : i64, tpu.core_type = #tpu.core_type<sc_vector_subcore>, window_params = [{transform_indices = #map}, {transform_indices = #map1}, {transform_indices = #map1}, {transform_indices = #map}, {transform_indices = #map2}]} {
    "tpu.region"() ({
      %run_scoped3A = tpu.sem_alloc : memref<!tpu.dma_semaphore, #tpu.memory_space<semaphore_mem>>
      tpu.enqueue_dma source(%arg5 : memref<128x128xf32, #tpu.memory_space<hbm>>) target(%arg11 : memref<128x128xf32, #tpu.memory_space<vmem>>) target_semaphore(%run_scoped3A : memref<!tpu.dma_semaphore, #tpu.memory_space<semaphore_mem>>)
      tpu.wait_dma2 semaphore(%run_scoped3A : memref<!tpu.dma_semaphore, #tpu.memory_space<semaphore_mem>>) src(%arg5 : memref<128x128xf32, #tpu.memory_space<hbm>>) dst(%arg11 : memref<128x128xf32, #tpu.memory_space<vmem>>)
      tpu.yield
    }) : () -> ()
    %scan3A = arith.constant 0 : i32
    %scan3A_0 = arith.constant 5 : i32
    %scan3A_1 = arith.addi %scan3A, %scan3A_0 : i32
    %scan3A_2 = arith.constant 1 : i32
    scf.for %scan3A_13 = %scan3A to %scan3A_1 step %scan3A_2  : i32 {
      %mul3A_14 = arith.constant 128 : i32
      %mul3A_15 = arith.muli %scan3A_13, %mul3A_14 : i32
      %add3A = arith.constant 0 : i32
      %add3A_16 = arith.addi %add3A, %mul3A_15 : i32
      %mul3A_17 = arith.constant 640 : i32
      %mul3A_18 = arith.muli %arg1, %mul3A_17 : i32
      %add3A_19 = arith.addi %mul3A_18, %add3A_16 : i32
      "tpu.region"() ({
        %run_scoped3A = tpu.sem_alloc : memref<!tpu.dma_semaphore, #tpu.memory_space<semaphore_mem>>
        %dma_start3A = arith.constant 0 : i32
        %dma_start3A_20 = tpu.memref_slice %arg7[%add3A_19, %dma_start3A] : memref<10240x128xf32, #tpu.memory_space<vmem_shared>> -> memref<128x128xf32, #tpu.memory_space<vmem_shared>>
        %dma_start3A_21 = arith.constant 0 : i32
        %dma_start3A_22 = tpu.memref_slice %arg7[%add3A_19, %dma_start3A_21] : memref<10240x128xf32, #tpu.memory_space<vmem_shared>> -> memref<128x128xf32, #tpu.memory_space<vmem_shared>>
        tpu.enqueue_dma source(%arg11 : memref<128x128xf32, #tpu.memory_space<vmem>>) target(%dma_start3A_22 : memref<128x128xf32, #tpu.memory_space<vmem_shared>>) target_semaphore(%run_scoped3A : memref<!tpu.dma_semaphore, #tpu.memory_space<semaphore_mem>>)
        %dma_wait3A = arith.constant 0 : i32
        %dma_wait3A_23 = tpu.memref_slice %arg7[%add3A_19, %dma_wait3A] : memref<10240x128xf32, #tpu.memory_space<vmem_shared>> -> memref<128x128xf32, #tpu.memory_space<vmem_shared>>
        %dma_wait3A_24 = arith.constant 0 : i32
        %dma_wait3A_25 = tpu.memref_slice %arg7[%add3A_19, %dma_wait3A_24] : memref<10240x128xf32, #tpu.memory_space<vmem_shared>> -> memref<128x128xf32, #tpu.memory_space<vmem_shared>>
        tpu.wait_dma2 semaphore(%run_scoped3A : memref<!tpu.dma_semaphore, #tpu.memory_space<semaphore_mem>>) src(%arg11 : memref<128x128xf32, #tpu.memory_space<vmem>>) dst(%dma_wait3A_25 : memref<128x128xf32, #tpu.memory_space<vmem_shared>>)
        tpu.yield
      }) : () -> ()
    }
    %scan3A_3 = arith.constant 5 : i32
    %barrier3A = arith.constant 0 : index
    tpu.barrier barrier_id(%barrier3A)
    %scan3A_4 = arith.constant 0 : i32
    %scan3A_5 = arith.constant 80 : i32
    %scan3A_6 = arith.addi %scan3A_4, %scan3A_5 : i32
    %scan3A_7 = arith.constant 1 : i32
    scf.for %scan3A_13 = %scan3A_4 to %scan3A_6 step %scan3A_7  : i32 {
      %mul3A_14 = arith.constant 1 : i32
      %mul3A_15 = arith.muli %scan3A_13, %mul3A_14 : i32
      %add3A = arith.constant 0 : i32
      %add3A_16 = arith.addi %add3A, %mul3A_15 : i32
      "tpu.region"() ({
        %run_scoped3A = tpu.sem_alloc : memref<!tpu.dma_semaphore, #tpu.memory_space<semaphore_mem>>
        %dma_start3A_21 = arith.constant 0 : i32
        %dma_start3A_22 = tpu.memref_slice %arg3[%arg0, %arg1, %add3A_16, %dma_start3A_21] : memref<2x16x80x128xi32, #tpu.memory_space<hbm>> -> memref<1x1x1x128xi32, #tpu.memory_space<hbm>>
        %dma_start3A_23 = tpu.memref_squeeze %dma_start3A_22 : memref<1x1x1x128xi32, #tpu.memory_space<hbm>> -> memref<128xi32, #tpu.memory_space<hbm>>
        %dma_start3A_24 = arith.constant 0 : i32
        %dma_start3A_25 = tpu.memref_slice %arg3[%arg0, %arg1, %add3A_16, %dma_start3A_24] : memref<2x16x80x128xi32, #tpu.memory_space<hbm>> -> memref<1x1x1x128xi32, #tpu.memory_space<hbm>>
        %dma_start3A_26 = tpu.memref_squeeze %dma_start3A_25 : memref<1x1x1x128xi32, #tpu.memory_space<hbm>> -> memref<128xi32, #tpu.memory_space<hbm>>
        tpu.enqueue_dma source(%dma_start3A_26 : memref<128xi32, #tpu.memory_space<hbm>>) target(%arg8 : memref<128xi32, #tpu.memory_space<vmem>>) target_semaphore(%run_scoped3A : memref<!tpu.dma_semaphore, #tpu.memory_space<semaphore_mem>>)
        %dma_wait3A_27 = arith.constant 0 : i32
        %dma_wait3A_28 = tpu.memref_slice %arg3[%arg0, %arg1, %add3A_16, %dma_wait3A_27] : memref<2x16x80x128xi32, #tpu.memory_space<hbm>> -> memref<1x1x1x128xi32, #tpu.memory_space<hbm>>
        %dma_wait3A_29 = tpu.memref_squeeze %dma_wait3A_28 : memref<1x1x1x128xi32, #tpu.memory_space<hbm>> -> memref<128xi32, #tpu.memory_space<hbm>>
        %dma_wait3A_30 = arith.constant 0 : i32
        %dma_wait3A_31 = tpu.memref_slice %arg3[%arg0, %arg1, %add3A_16, %dma_wait3A_30] : memref<2x16x80x128xi32, #tpu.memory_space<hbm>> -> memref<1x1x1x128xi32, #tpu.memory_space<hbm>>
        %dma_wait3A_32 = tpu.memref_squeeze %dma_wait3A_31 : memref<1x1x1x128xi32, #tpu.memory_space<hbm>> -> memref<128xi32, #tpu.memory_space<hbm>>
        tpu.wait_dma2 semaphore(%run_scoped3A : memref<!tpu.dma_semaphore, #tpu.memory_space<semaphore_mem>>) src(%dma_wait3A_32 : memref<128xi32, #tpu.memory_space<hbm>>) dst(%arg8 : memref<128xi32, #tpu.memory_space<vmem>>)
        tpu.yield
      }) : () -> ()
      "tpu.region"() ({
        %run_scoped3A = tpu.sem_alloc : memref<!tpu.dma_semaphore, #tpu.memory_space<semaphore_mem>>
        %dma_start3A_21 = arith.constant 0 : i32
        %dma_start3A_22 = tpu.memref_slice %arg4[%arg0, %arg1, %add3A_16, %dma_start3A_21] : memref<2x16x80x128xi32, #tpu.memory_space<hbm>> -> memref<1x1x1x128xi32, #tpu.memory_space<hbm>>
        %dma_start3A_23 = tpu.memref_squeeze %dma_start3A_22 : memref<1x1x1x128xi32, #tpu.memory_space<hbm>> -> memref<128xi32, #tpu.memory_space<hbm>>
        %dma_start3A_24 = arith.constant 0 : i32
        %dma_start3A_25 = tpu.memref_slice %arg4[%arg0, %arg1, %add3A_16, %dma_start3A_24] : memref<2x16x80x128xi32, #tpu.memory_space<hbm>> -> memref<1x1x1x128xi32, #tpu.memory_space<hbm>>
        %dma_start3A_26 = tpu.memref_squeeze %dma_start3A_25 : memref<1x1x1x128xi32, #tpu.memory_space<hbm>> -> memref<128xi32, #tpu.memory_space<hbm>>
        tpu.enqueue_dma source(%dma_start3A_26 : memref<128xi32, #tpu.memory_space<hbm>>) target(%arg9 : memref<128xi32, #tpu.memory_space<vmem>>) target_semaphore(%run_scoped3A : memref<!tpu.dma_semaphore, #tpu.memory_space<semaphore_mem>>)
        %dma_wait3A_27 = arith.constant 0 : i32
        %dma_wait3A_28 = tpu.memref_slice %arg4[%arg0, %arg1, %add3A_16, %dma_wait3A_27] : memref<2x16x80x128xi32, #tpu.memory_space<hbm>> -> memref<1x1x1x128xi32, #tpu.memory_space<hbm>>
        %dma_wait3A_29 = tpu.memref_squeeze %dma_wait3A_28 : memref<1x1x1x128xi32, #tpu.memory_space<hbm>> -> memref<128xi32, #tpu.memory_space<hbm>>
        %dma_wait3A_30 = arith.constant 0 : i32
        %dma_wait3A_31 = tpu.memref_slice %arg4[%arg0, %arg1, %add3A_16, %dma_wait3A_30] : memref<2x16x80x128xi32, #tpu.memory_space<hbm>> -> memref<1x1x1x128xi32, #tpu.memory_space<hbm>>
        %dma_wait3A_32 = tpu.memref_squeeze %dma_wait3A_31 : memref<1x1x1x128xi32, #tpu.memory_space<hbm>> -> memref<128xi32, #tpu.memory_space<hbm>>
        tpu.wait_dma2 semaphore(%run_scoped3A : memref<!tpu.dma_semaphore, #tpu.memory_space<semaphore_mem>>) src(%dma_wait3A_32 : memref<128xi32, #tpu.memory_space<hbm>>) dst(%arg9 : memref<128xi32, #tpu.memory_space<vmem>>)
        tpu.yield
      }) : () -> ()
      %dma_start3A = arith.constant 0 : i32
      %dma_start3A_17 = arith.constant 0 : i32
      %dma_start3A_18 = tpu.memref_slice %arg2[%dma_start3A, %dma_start3A_17] : memref<10000x128xf32, #tpu.memory_space<hbm>> -> memref<10000x128xf32, #tpu.memory_space<hbm>>
      tpu.enqueue_indirect_dma source(%dma_start3A_18 : memref<10000x128xf32, #tpu.memory_space<hbm>>) target(%arg10 : memref<128x128xf32, #tpu.memory_space<vmem>>) offsets(%arg8 : memref<128xi32, #tpu.memory_space<vmem>>) semaphore(%arg12 : memref<!tpu.dma_semaphore, #tpu.memory_space<semaphore_mem>>)
      %dma_wait3A = arith.constant 0 : i32
      %dma_wait3A_19 = arith.constant 0 : i32
      %dma_wait3A_20 = tpu.memref_slice %arg2[%dma_wait3A, %dma_wait3A_19] : memref<10000x128xf32, #tpu.memory_space<hbm>> -> memref<10000x128xf32, #tpu.memory_space<hbm>>
      tpu.wait_indirect_dma semaphore(%arg12 : memref<!tpu.dma_semaphore, #tpu.memory_space<semaphore_mem>>) src(%dma_wait3A_20 : memref<10000x128xf32, #tpu.memory_space<hbm>>) dst(%arg10 : memref<128x128xf32, #tpu.memory_space<vmem>>)
      "tpu.region"() ({
        %run_scoped3A = tpu.sem_alloc : memref<!tpu.dma_semaphore, #tpu.memory_space<semaphore_mem>>
        %dma_start3A_21 = arith.constant 0 : i32
        %dma_start3A_22 = arith.constant 0 : i32
        %dma_start3A_23 = tpu.memref_slice %arg7[%dma_start3A_21, %dma_start3A_22] : memref<10240x128xf32, #tpu.memory_space<vmem_shared>> -> memref<10240x128xf32, #tpu.memory_space<vmem_shared>>
        tpu.enqueue_indirect_dma source(%arg10 : memref<128x128xf32, #tpu.memory_space<vmem>>) target(%dma_start3A_23 : memref<10240x128xf32, #tpu.memory_space<vmem_shared>>) offsets(%arg9 : memref<128xi32, #tpu.memory_space<vmem>>) semaphore(%run_scoped3A : memref<!tpu.dma_semaphore, #tpu.memory_space<semaphore_mem>>) {add = true}
        %dma_wait3A_24 = arith.constant 0 : i32
        %dma_wait3A_25 = arith.constant 0 : i32
        %dma_wait3A_26 = tpu.memref_slice %arg7[%dma_wait3A_24, %dma_wait3A_25] : memref<10240x128xf32, #tpu.memory_space<vmem_shared>> -> memref<10240x128xf32, #tpu.memory_space<vmem_shared>>
        tpu.wait_indirect_dma semaphore(%run_scoped3A : memref<!tpu.dma_semaphore, #tpu.memory_space<semaphore_mem>>) src(%arg10 : memref<128x128xf32, #tpu.memory_space<vmem>>) dst(%dma_wait3A_26 : memref<10240x128xf32, #tpu.memory_space<vmem_shared>>)
        tpu.yield
      }) : () -> ()
    }
    %scan3A_8 = arith.constant 80 : i32
    %barrier3A_9 = arith.constant 0 : index
    tpu.barrier barrier_id(%barrier3A_9)
    %mul3A = arith.constant 640 : i32
    %mul3A_10 = arith.muli %arg1, %mul3A : i32
    %mul3A_11 = arith.constant 640 : i32
    %mul3A_12 = arith.muli %arg1, %mul3A_11 : i32
    "tpu.region"() ({
      %run_scoped3A = tpu.sem_alloc : memref<!tpu.dma_semaphore, #tpu.memory_space<semaphore_mem>>
      %dma_start3A = arith.constant 0 : i32
      %dma_start3A_13 = tpu.memref_slice %arg6[%arg0, %mul3A_12, %dma_start3A] : memref<2x10240x128xf32, #tpu.memory_space<hbm>> -> memref<1x640x128xf32, #tpu.memory_space<hbm>>
      %dma_start3A_14 = tpu.memref_squeeze %dma_start3A_13 : memref<1x640x128xf32, #tpu.memory_space<hbm>> -> memref<640x128xf32, #tpu.memory_space<hbm>>
      %dma_start3A_15 = arith.constant 0 : i32
      %dma_start3A_16 = tpu.memref_slice %arg7[%mul3A_10, %dma_start3A_15] : memref<10240x128xf32, #tpu.memory_space<vmem_shared>> -> memref<640x128xf32, #tpu.memory_space<vmem_shared>>
      tpu.enqueue_dma source(%dma_start3A_16 : memref<640x128xf32, #tpu.memory_space<vmem_shared>>) target(%dma_start3A_14 : memref<640x128xf32, #tpu.memory_space<hbm>>) target_semaphore(%run_scoped3A : memref<!tpu.dma_semaphore, #tpu.memory_space<semaphore_mem>>)
      %dma_wait3A = arith.constant 0 : i32
      %dma_wait3A_17 = tpu.memref_slice %arg6[%arg0, %mul3A_12, %dma_wait3A] : memref<2x10240x128xf32, #tpu.memory_space<hbm>> -> memref<1x640x128xf32, #tpu.memory_space<hbm>>
      %dma_wait3A_18 = tpu.memref_squeeze %dma_wait3A_17 : memref<1x640x128xf32, #tpu.memory_space<hbm>> -> memref<640x128xf32, #tpu.memory_space<hbm>>
      %dma_wait3A_19 = arith.constant 0 : i32
      %dma_wait3A_20 = tpu.memref_slice %arg7[%mul3A_10, %dma_wait3A_19] : memref<10240x128xf32, #tpu.memory_space<vmem_shared>> -> memref<640x128xf32, #tpu.memory_space<vmem_shared>>
      tpu.wait_dma2 semaphore(%run_scoped3A : memref<!tpu.dma_semaphore, #tpu.memory_space<semaphore_mem>>) src(%dma_wait3A_20 : memref<640x128xf32, #tpu.memory_space<vmem_shared>>) dst(%dma_wait3A_18 : memref<640x128xf32, #tpu.memory_space<hbm>>)
      tpu.yield
    }) : () -> ()
    return
  }
}

#map = affine_map<(d0, d1) -> (0, 0)>
#map1 = affine_map<(d0, d1) -> (0, 0, 0, 0)>
#map2 = affine_map<(d0, d1) -> (0, 0, 0)>
module attributes {stable_mosaic.version = 14 : i64} {
  func.func @prop_k(%arg0: i32, %arg1: i32, %arg2: memref<10000x128xf32, #tpu.memory_space<hbm>>, %arg3: memref<2x16x80x128xi32, #tpu.memory_space<hbm>>, %arg4: memref<2x16x80x128xi32, #tpu.memory_space<hbm>>, %arg5: memref<128x128xf32, #tpu.memory_space<hbm>>, %arg6: memref<2x10240x128xf32, #tpu.memory_space<hbm>>, %arg7: memref<10240x128xf32, #tpu.memory_space<vmem_shared>>, %arg8: memref<128xi32, #tpu.memory_space<vmem>>, %arg9: memref<128xi32, #tpu.memory_space<vmem>>, %arg10: memref<128x128xf32, #tpu.memory_space<vmem>>, %arg11: memref<128x128xf32, #tpu.memory_space<vmem>>, %arg12: memref<!tpu.dma_semaphore, #tpu.memory_space<semaphore_mem>>) attributes {dimension_semantics = [#tpu.dimension_semantics<core_parallel>, #tpu.dimension_semantics<subcore_parallel>], iteration_bounds = array<i64: 2, 16>, scalar_prefetch = 0 : i64, scratch_operands = 6 : i64, tpu.core_type = #tpu.core_type<sc_vector_subcore>, window_params = [{transform_indices = #map}, {transform_indices = #map1}, {transform_indices = #map1}, {transform_indices = #map}, {transform_indices = #map2}]} {
    "tpu.region"() ({
      %run_scoped3A = tpu.sem_alloc : memref<!tpu.dma_semaphore, #tpu.memory_space<semaphore_mem>>
      tpu.enqueue_dma source(%arg5 : memref<128x128xf32, #tpu.memory_space<hbm>>) target(%arg11 : memref<128x128xf32, #tpu.memory_space<vmem>>) target_semaphore(%run_scoped3A : memref<!tpu.dma_semaphore, #tpu.memory_space<semaphore_mem>>)
      tpu.wait_dma2 semaphore(%run_scoped3A : memref<!tpu.dma_semaphore, #tpu.memory_space<semaphore_mem>>) src(%arg5 : memref<128x128xf32, #tpu.memory_space<hbm>>) dst(%arg11 : memref<128x128xf32, #tpu.memory_space<vmem>>)
      tpu.yield
    }) : () -> ()
    %scan3A = arith.constant 0 : i32
    %scan3A_0 = arith.constant 5 : i32
    %scan3A_1 = arith.addi %scan3A, %scan3A_0 : i32
    %scan3A_2 = arith.constant 1 : i32
    scf.for %scan3A_13 = %scan3A to %scan3A_1 step %scan3A_2  : i32 {
      %mul3A_14 = arith.constant 128 : i32
      %mul3A_15 = arith.muli %scan3A_13, %mul3A_14 : i32
      %add3A = arith.constant 0 : i32
      %add3A_16 = arith.addi %add3A, %mul3A_15 : i32
      %mul3A_17 = arith.constant 640 : i32
      %mul3A_18 = arith.muli %arg1, %mul3A_17 : i32
      %add3A_19 = arith.addi %mul3A_18, %add3A_16 : i32
      "tpu.region"() ({
        %run_scoped3A = tpu.sem_alloc : memref<!tpu.dma_semaphore, #tpu.memory_space<semaphore_mem>>
        %dma_start3A = arith.constant 0 : i32
        %dma_start3A_20 = tpu.memref_slice %arg7[%add3A_19, %dma_start3A] : memref<10240x128xf32, #tpu.memory_space<vmem_shared>> -> memref<128x128xf32, #tpu.memory_space<vmem_shared>>
        %dma_start3A_21 = arith.constant 0 : i32
        %dma_start3A_22 = tpu.memref_slice %arg7[%add3A_19, %dma_start3A_21] : memref<10240x128xf32, #tpu.memory_space<vmem_shared>> -> memref<128x128xf32, #tpu.memory_space<vmem_shared>>
        tpu.enqueue_dma source(%arg11 : memref<128x128xf32, #tpu.memory_space<vmem>>) target(%dma_start3A_22 : memref<128x128xf32, #tpu.memory_space<vmem_shared>>) target_semaphore(%run_scoped3A : memref<!tpu.dma_semaphore, #tpu.memory_space<semaphore_mem>>)
        %dma_wait3A = arith.constant 0 : i32
        %dma_wait3A_23 = tpu.memref_slice %arg7[%add3A_19, %dma_wait3A] : memref<10240x128xf32, #tpu.memory_space<vmem_shared>> -> memref<128x128xf32, #tpu.memory_space<vmem_shared>>
        %dma_wait3A_24 = arith.constant 0 : i32
        %dma_wait3A_25 = tpu.memref_slice %arg7[%add3A_19, %dma_wait3A_24] : memref<10240x128xf32, #tpu.memory_space<vmem_shared>> -> memref<128x128xf32, #tpu.memory_space<vmem_shared>>
        tpu.wait_dma2 semaphore(%run_scoped3A : memref<!tpu.dma_semaphore, #tpu.memory_space<semaphore_mem>>) src(%arg11 : memref<128x128xf32, #tpu.memory_space<vmem>>) dst(%dma_wait3A_25 : memref<128x128xf32, #tpu.memory_space<vmem_shared>>)
        tpu.yield
      }) : () -> ()
    }
    %scan3A_3 = arith.constant 5 : i32
    %barrier3A = arith.constant 0 : index
    tpu.barrier barrier_id(%barrier3A)
    %scan3A_4 = arith.constant 0 : i32
    %scan3A_5 = arith.constant 80 : i32
    %scan3A_6 = arith.addi %scan3A_4, %scan3A_5 : i32
    %scan3A_7 = arith.constant 1 : i32
    scf.for %scan3A_13 = %scan3A_4 to %scan3A_6 step %scan3A_7  : i32 {
      %mul3A_14 = arith.constant 1 : i32
      %mul3A_15 = arith.muli %scan3A_13, %mul3A_14 : i32
      %add3A = arith.constant 0 : i32
      %add3A_16 = arith.addi %add3A, %mul3A_15 : i32
      "tpu.region"() ({
        %run_scoped3A = tpu.sem_alloc : memref<!tpu.dma_semaphore, #tpu.memory_space<semaphore_mem>>
        %dma_start3A_21 = arith.constant 0 : i32
        %dma_start3A_22 = tpu.memref_slice %arg3[%arg0, %arg1, %add3A_16, %dma_start3A_21] : memref<2x16x80x128xi32, #tpu.memory_space<hbm>> -> memref<1x1x1x128xi32, #tpu.memory_space<hbm>>
        %dma_start3A_23 = tpu.memref_squeeze %dma_start3A_22 : memref<1x1x1x128xi32, #tpu.memory_space<hbm>> -> memref<128xi32, #tpu.memory_space<hbm>>
        %dma_start3A_24 = arith.constant 0 : i32
        %dma_start3A_25 = tpu.memref_slice %arg3[%arg0, %arg1, %add3A_16, %dma_start3A_24] : memref<2x16x80x128xi32, #tpu.memory_space<hbm>> -> memref<1x1x1x128xi32, #tpu.memory_space<hbm>>
        %dma_start3A_26 = tpu.memref_squeeze %dma_start3A_25 : memref<1x1x1x128xi32, #tpu.memory_space<hbm>> -> memref<128xi32, #tpu.memory_space<hbm>>
        tpu.enqueue_dma source(%dma_start3A_26 : memref<128xi32, #tpu.memory_space<hbm>>) target(%arg8 : memref<128xi32, #tpu.memory_space<vmem>>) target_semaphore(%run_scoped3A : memref<!tpu.dma_semaphore, #tpu.memory_space<semaphore_mem>>)
        %dma_wait3A_27 = arith.constant 0 : i32
        %dma_wait3A_28 = tpu.memref_slice %arg3[%arg0, %arg1, %add3A_16, %dma_wait3A_27] : memref<2x16x80x128xi32, #tpu.memory_space<hbm>> -> memref<1x1x1x128xi32, #tpu.memory_space<hbm>>
        %dma_wait3A_29 = tpu.memref_squeeze %dma_wait3A_28 : memref<1x1x1x128xi32, #tpu.memory_space<hbm>> -> memref<128xi32, #tpu.memory_space<hbm>>
        %dma_wait3A_30 = arith.constant 0 : i32
        %dma_wait3A_31 = tpu.memref_slice %arg3[%arg0, %arg1, %add3A_16, %dma_wait3A_30] : memref<2x16x80x128xi32, #tpu.memory_space<hbm>> -> memref<1x1x1x128xi32, #tpu.memory_space<hbm>>
        %dma_wait3A_32 = tpu.memref_squeeze %dma_wait3A_31 : memref<1x1x1x128xi32, #tpu.memory_space<hbm>> -> memref<128xi32, #tpu.memory_space<hbm>>
        tpu.wait_dma2 semaphore(%run_scoped3A : memref<!tpu.dma_semaphore, #tpu.memory_space<semaphore_mem>>) src(%dma_wait3A_32 : memref<128xi32, #tpu.memory_space<hbm>>) dst(%arg8 : memref<128xi32, #tpu.memory_space<vmem>>)
        tpu.yield
      }) : () -> ()
      "tpu.region"() ({
        %run_scoped3A = tpu.sem_alloc : memref<!tpu.dma_semaphore, #tpu.memory_space<semaphore_mem>>
        %dma_start3A_21 = arith.constant 0 : i32
        %dma_start3A_22 = tpu.memref_slice %arg4[%arg0, %arg1, %add3A_16, %dma_start3A_21] : memref<2x16x80x128xi32, #tpu.memory_space<hbm>> -> memref<1x1x1x128xi32, #tpu.memory_space<hbm>>
        %dma_start3A_23 = tpu.memref_squeeze %dma_start3A_22 : memref<1x1x1x128xi32, #tpu.memory_space<hbm>> -> memref<128xi32, #tpu.memory_space<hbm>>
        %dma_start3A_24 = arith.constant 0 : i32
        %dma_start3A_25 = tpu.memref_slice %arg4[%arg0, %arg1, %add3A_16, %dma_start3A_24] : memref<2x16x80x128xi32, #tpu.memory_space<hbm>> -> memref<1x1x1x128xi32, #tpu.memory_space<hbm>>
        %dma_start3A_26 = tpu.memref_squeeze %dma_start3A_25 : memref<1x1x1x128xi32, #tpu.memory_space<hbm>> -> memref<128xi32, #tpu.memory_space<hbm>>
        tpu.enqueue_dma source(%dma_start3A_26 : memref<128xi32, #tpu.memory_space<hbm>>) target(%arg9 : memref<128xi32, #tpu.memory_space<vmem>>) target_semaphore(%run_scoped3A : memref<!tpu.dma_semaphore, #tpu.memory_space<semaphore_mem>>)
        %dma_wait3A_27 = arith.constant 0 : i32
        %dma_wait3A_28 = tpu.memref_slice %arg4[%arg0, %arg1, %add3A_16, %dma_wait3A_27] : memref<2x16x80x128xi32, #tpu.memory_space<hbm>> -> memref<1x1x1x128xi32, #tpu.memory_space<hbm>>
        %dma_wait3A_29 = tpu.memref_squeeze %dma_wait3A_28 : memref<1x1x1x128xi32, #tpu.memory_space<hbm>> -> memref<128xi32, #tpu.memory_space<hbm>>
        %dma_wait3A_30 = arith.constant 0 : i32
        %dma_wait3A_31 = tpu.memref_slice %arg4[%arg0, %arg1, %add3A_16, %dma_wait3A_30] : memref<2x16x80x128xi32, #tpu.memory_space<hbm>> -> memref<1x1x1x128xi32, #tpu.memory_space<hbm>>
        %dma_wait3A_32 = tpu.memref_squeeze %dma_wait3A_31 : memref<1x1x1x128xi32, #tpu.memory_space<hbm>> -> memref<128xi32, #tpu.memory_space<hbm>>
        tpu.wait_dma2 semaphore(%run_scoped3A : memref<!tpu.dma_semaphore, #tpu.memory_space<semaphore_mem>>) src(%dma_wait3A_32 : memref<128xi32, #tpu.memory_space<hbm>>) dst(%arg9 : memref<128xi32, #tpu.memory_space<vmem>>)
        tpu.yield
      }) : () -> ()
      %dma_start3A = arith.constant 0 : i32
      %dma_start3A_17 = arith.constant 0 : i32
      %dma_start3A_18 = tpu.memref_slice %arg2[%dma_start3A, %dma_start3A_17] : memref<10000x128xf32, #tpu.memory_space<hbm>> -> memref<10000x128xf32, #tpu.memory_space<hbm>>
      tpu.enqueue_indirect_dma source(%dma_start3A_18 : memref<10000x128xf32, #tpu.memory_space<hbm>>) target(%arg10 : memref<128x128xf32, #tpu.memory_space<vmem>>) offsets(%arg8 : memref<128xi32, #tpu.memory_space<vmem>>) semaphore(%arg12 : memref<!tpu.dma_semaphore, #tpu.memory_space<semaphore_mem>>)
      %dma_wait3A = arith.constant 0 : i32
      %dma_wait3A_19 = arith.constant 0 : i32
      %dma_wait3A_20 = tpu.memref_slice %arg2[%dma_wait3A, %dma_wait3A_19] : memref<10000x128xf32, #tpu.memory_space<hbm>> -> memref<10000x128xf32, #tpu.memory_space<hbm>>
      tpu.wait_indirect_dma semaphore(%arg12 : memref<!tpu.dma_semaphore, #tpu.memory_space<semaphore_mem>>) src(%dma_wait3A_20 : memref<10000x128xf32, #tpu.memory_space<hbm>>) dst(%arg10 : memref<128x128xf32, #tpu.memory_space<vmem>>)
      "tpu.region"() ({
        %run_scoped3A = tpu.sem_alloc : memref<!tpu.dma_semaphore, #tpu.memory_space<semaphore_mem>>
        %dma_start3A_21 = arith.constant 0 : i32
        %dma_start3A_22 = arith.constant 0 : i32
        %dma_start3A_23 = tpu.memref_slice %arg7[%dma_start3A_21, %dma_start3A_22] : memref<10240x128xf32, #tpu.memory_space<vmem_shared>> -> memref<10240x128xf32, #tpu.memory_space<vmem_shared>>
        tpu.enqueue_indirect_dma source(%arg10 : memref<128x128xf32, #tpu.memory_space<vmem>>) target(%dma_start3A_23 : memref<10240x128xf32, #tpu.memory_space<vmem_shared>>) offsets(%arg9 : memref<128xi32, #tpu.memory_space<vmem>>) semaphore(%run_scoped3A : memref<!tpu.dma_semaphore, #tpu.memory_space<semaphore_mem>>) {add = true}
        %dma_wait3A_24 = arith.constant 0 : i32
        %dma_wait3A_25 = arith.constant 0 : i32
        %dma_wait3A_26 = tpu.memref_slice %arg7[%dma_wait3A_24, %dma_wait3A_25] : memref<10240x128xf32, #tpu.memory_space<vmem_shared>> -> memref<10240x128xf32, #tpu.memory_space<vmem_shared>>
        tpu.wait_indirect_dma semaphore(%run_scoped3A : memref<!tpu.dma_semaphore, #tpu.memory_space<semaphore_mem>>) src(%arg10 : memref<128x128xf32, #tpu.memory_space<vmem>>) dst(%dma_wait3A_26 : memref<10240x128xf32, #tpu.memory_space<vmem_shared>>)
        tpu.yield
      }) : () -> ()
    }
    %scan3A_8 = arith.constant 80 : i32
    %barrier3A_9 = arith.constant 0 : index
    tpu.barrier barrier_id(%barrier3A_9)
    %mul3A = arith.constant 640 : i32
    %mul3A_10 = arith.muli %arg1, %mul3A : i32
    %mul3A_11 = arith.constant 640 : i32
    %mul3A_12 = arith.muli %arg1, %mul3A_11 : i32
    "tpu.region"() ({
      %run_scoped3A = tpu.sem_alloc : memref<!tpu.dma_semaphore, #tpu.memory_space<semaphore_mem>>
      %dma_start3A = arith.constant 0 : i32
      %dma_start3A_13 = tpu.memref_slice %arg6[%arg0, %mul3A_12, %dma_start3A] : memref<2x10240x128xf32, #tpu.memory_space<hbm>> -> memref<1x640x128xf32, #tpu.memory_space<hbm>>
      %dma_start3A_14 = tpu.memref_squeeze %dma_start3A_13 : memref<1x640x128xf32, #tpu.memory_space<hbm>> -> memref<640x128xf32, #tpu.memory_space<hbm>>
      %dma_start3A_15 = arith.constant 0 : i32
      %dma_start3A_16 = tpu.memref_slice %arg7[%mul3A_10, %dma_start3A_15] : memref<10240x128xf32, #tpu.memory_space<vmem_shared>> -> memref<640x128xf32, #tpu.memory_space<vmem_shared>>
      tpu.enqueue_dma source(%dma_start3A_16 : memref<640x128xf32, #tpu.memory_space<vmem_shared>>) target(%dma_start3A_14 : memref<640x128xf32, #tpu.memory_space<hbm>>) target_semaphore(%run_scoped3A : memref<!tpu.dma_semaphore, #tpu.memory_space<semaphore_mem>>)
      %dma_wait3A = arith.constant 0 : i32
      %dma_wait3A_17 = tpu.memref_slice %arg6[%arg0, %mul3A_12, %dma_wait3A] : memref<2x10240x128xf32, #tpu.memory_space<hbm>> -> memref<1x640x128xf32, #tpu.memory_space<hbm>>
      %dma_wait3A_18 = tpu.memref_squeeze %dma_wait3A_17 : memref<1x640x128xf32, #tpu.memory_space<hbm>> -> memref<640x128xf32, #tpu.memory_space<hbm>>
      %dma_wait3A_19 = arith.constant 0 : i32
      %dma_wait3A_20 = tpu.memref_slice %arg7[%mul3A_10, %dma_wait3A_19] : memref<10240x128xf32, #tpu.memory_space<vmem_shared>> -> memref<640x128xf32, #tpu.memory_space<vmem_shared>>
      tpu.wait_dma2 semaphore(%run_scoped3A : memref<!tpu.dma_semaphore, #tpu.memory_space<semaphore_mem>>) src(%dma_wait3A_20 : memref<640x128xf32, #tpu.memory_space<vmem_shared>>) dst(%dma_wait3A_18 : memref<640x128xf32, #tpu.memory_space<hbm>>)
      tpu.yield
    }) : () -> ()
    return
  }
}

module attributes {stable_mosaic.version = 14 : i64} {
  func.func @_y1_body(%arg0: i32, %arg1: memref<2x1000x16xf32, #tpu.memory_space<vmem>>, %arg2: memref<1000x128xf32, #tpu.memory_space<vmem>>, %arg3: memref<1000x128xf32, #tpu.memory_space<vmem>>, %arg4: memref<1000x1xf32, #tpu.memory_space<vmem>>) attributes {dimension_semantics = [#tpu.dimension_semantics<arbitrary>], iteration_bounds = array<i64: 10>, scalar_prefetch = 0 : i64, scratch_operands = 0 : i64, tpu.core_type = #tpu.core_type<tc>, window_params = [{transform_indices = @transform_0, window_bounds = array<i64: 2, 1000, 16>}, {transform_indices = @transform_1, window_bounds = array<i64: 1000, 128>}, {transform_indices = @transform_2, window_bounds = array<i64: 1000, 128>}, {transform_indices = @transform_3, window_bounds = array<i64: 1000, 1>}]} {
    %get3A = arith.constant 0 : index
    %get3A_0 = arith.constant 0 : index
    %get3A_1 = arith.constant 0 : index
    %get3A_2 = vector.load %arg1[%get3A, %get3A_0, %get3A_1] : memref<2x1000x16xf32, #tpu.memory_space<vmem>>, vector<1x1000x1xf32>
    %get3A_3 = vector.shape_cast %get3A_2 : vector<1x1000x1xf32> to vector<1000x1xf32>
    %get3A_4 = arith.constant 1 : index
    %get3A_5 = arith.constant 0 : index
    %get3A_6 = arith.constant 0 : index
    %get3A_7 = vector.load %arg1[%get3A_4, %get3A_5, %get3A_6] : memref<2x1000x16xf32, #tpu.memory_space<vmem>>, vector<1x1000x1xf32>
    %get3A_8 = vector.shape_cast %get3A_7 : vector<1x1000x1xf32> to vector<1000x1xf32>
    %add3A = arith.addf %get3A_3, %get3A_8 : vector<1000x1xf32>
    %add3A_9 = arith.constant 1.000000e+00 : f32
    %add3A_10 = vector.broadcast %add3A_9 : f32 to vector<1000x1xf32>
    %add3A_11 = arith.addf %add3A, %add3A_10 : vector<1000x1xf32>
    %rsqrt3A = math.rsqrt %add3A_11 : vector<1000x1xf32>
    %swap3A = arith.constant 0 : index
    %swap3A_12 = arith.constant 0 : index
    %swap3A_13 = vector.load %arg4[%swap3A, %swap3A_12] : memref<1000x1xf32, #tpu.memory_space<vmem>>, vector<1000x1xf32>
    tpu.vector_store %arg4[%swap3A, %swap3A_12], %rsqrt3A {strides = array<i32>} : memref<1000x1xf32, #tpu.memory_space<vmem>>, vector<1000x1xf32>,
    %get3A_14 = arith.constant 0 : index
    %get3A_15 = arith.constant 0 : index
    %get3A_16 = vector.load %arg2[%get3A_14, %get3A_15] : memref<1000x128xf32, #tpu.memory_space<vmem>>, vector<1000x128xf32>
    %mul3A = vector.broadcast %rsqrt3A : vector<1000x1xf32> to vector<1000x128xf32>
    %mul3A_17 = arith.mulf %mul3A, %get3A_16 : vector<1000x128xf32>
    %swap3A_18 = arith.constant 0 : index
    %swap3A_19 = arith.constant 0 : index
    %swap3A_20 = vector.load %arg3[%swap3A_18, %swap3A_19] : memref<1000x128xf32, #tpu.memory_space<vmem>>, vector<1000x128xf32>
    tpu.vector_store %arg3[%swap3A_18, %swap3A_19], %mul3A_17 {strides = array<i32>} : memref<1000x128xf32, #tpu.memory_space<vmem>>, vector<1000x128xf32>,
    return
  }
  func.func @transform_0(%arg0: i32) -> (i32, i32, i32) {
    %c0_i32 = arith.constant 0 : i32
    %c0_i32_0 = arith.constant 0 : i32
    %c0_i32_1 = arith.constant 0 : i32
    return %c0_i32, %arg0, %c0_i32_0 : i32, i32, i32
  }
  func.func @transform_1(%arg0: i32) -> (i32, i32) {
    %c0_i32 = arith.constant 0 : i32
    %c0_i32_0 = arith.constant 0 : i32
    return %arg0, %c0_i32 : i32, i32
  }
  func.func @transform_2(%arg0: i32) -> (i32, i32) {
    %c0_i32 = arith.constant 0 : i32
    %c0_i32_0 = arith.constant 0 : i32
    return %arg0, %c0_i32 : i32, i32
  }
  func.func @transform_3(%arg0: i32) -> (i32, i32) {
    %c0_i32 = arith.constant 0 : i32
    %c0_i32_0 = arith.constant 0 : i32
    return %arg0, %c0_i32 : i32, i32
  }
}

module attributes {stable_mosaic.version = 14 : i64} {
  func.func @_mm_body(%arg0: i32, %arg1: memref<1000x128xf32, #tpu.memory_space<vmem>>, %arg2: memref<128x128xf32, #tpu.memory_space<vmem>>, %arg3: memref<1000x128xf32, #tpu.memory_space<vmem>>) attributes {dimension_semantics = [#tpu.dimension_semantics<arbitrary>], iteration_bounds = array<i64: 10>, scalar_prefetch = 0 : i64, scratch_operands = 0 : i64, tpu.core_type = #tpu.core_type<tc>, window_params = [{transform_indices = @transform_0, window_bounds = array<i64: 1000, 128>}, {pipeline_mode = #tpu.pipeline_mode<synchronous>, transform_indices = @transform_1, window_bounds = array<i64: 128, 128>}, {transform_indices = @transform_2, window_bounds = array<i64: 1000, 128>}]} {
    %get3A = arith.constant 0 : index
    %get3A_0 = arith.constant 0 : index
    %get3A_1 = vector.load %arg1[%get3A, %get3A_0] : memref<1000x128xf32, #tpu.memory_space<vmem>>, vector<1000x128xf32>
    %get3A_2 = arith.constant 0 : index
    %get3A_3 = arith.constant 0 : index
    %get3A_4 = vector.load %arg2[%get3A_2, %get3A_3] : memref<128x128xf32, #tpu.memory_space<vmem>>, vector<128x128xf32>
    %dot_general3A = arith.constant dense<0.000000e+00> : vector<1000x128xf32>
    %dot_general3A_5 = tpu.matmul %get3A_1, %get3A_4, %dot_general3A {dimension_numbers = #tpu.dot_dimension_numbers<[1], [0], [0], [1], [0, 0, 1, 1], [], []>, transpose_lhs_hint = false} : vector<1000x128xf32>, vector<128x128xf32>, vector<1000x128xf32> -> vector<1000x128xf32>
    %swap3A = arith.constant 0 : index
    %swap3A_6 = arith.constant 0 : index
    %swap3A_7 = vector.load %arg3[%swap3A, %swap3A_6] : memref<1000x128xf32, #tpu.memory_space<vmem>>, vector<1000x128xf32>
    tpu.vector_store %arg3[%swap3A, %swap3A_6], %dot_general3A_5 {strides = array<i32>} : memref<1000x128xf32, #tpu.memory_space<vmem>>, vector<1000x128xf32>,
    return
  }
  func.func @transform_0(%arg0: i32) -> (i32, i32) {
    %c0_i32 = arith.constant 0 : i32
    %c0_i32_0 = arith.constant 0 : i32
    return %arg0, %c0_i32 : i32, i32
  }
  func.func @transform_1(%arg0: i32) -> (i32, i32) {
    %c0_i32 = arith.constant 0 : i32
    %c0_i32_0 = arith.constant 0 : i32
    %c0_i32_1 = arith.constant 0 : i32
    return %c0_i32, %c0_i32_0 : i32, i32
  }
  func.func @transform_2(%arg0: i32) -> (i32, i32) {
    %c0_i32 = arith.constant 0 : i32
    %c0_i32_0 = arith.constant 0 : i32
    return %arg0, %c0_i32 : i32, i32
  }
}

module attributes {stable_mosaic.version = 14 : i64} {
  func.func @_mid_body(%arg0: i32, %arg1: memref<2x1000x128xf32, #tpu.memory_space<vmem>>, %arg2: memref<1000x128xf32, #tpu.memory_space<vmem>>, %arg3: memref<1000x1xf32, #tpu.memory_space<vmem>>, %arg4: memref<64x64xf32, #tpu.memory_space<vmem>>, %arg5: memref<1000x128xf32, #tpu.memory_space<vmem>>) attributes {dimension_semantics = [#tpu.dimension_semantics<arbitrary>], iteration_bounds = array<i64: 10>, scalar_prefetch = 0 : i64, scratch_operands = 0 : i64, tpu.core_type = #tpu.core_type<tc>, window_params = [{transform_indices = @transform_0, window_bounds = array<i64: 2, 1000, 128>}, {transform_indices = @transform_1, window_bounds = array<i64: 1000, 128>}, {transform_indices = @transform_2, window_bounds = array<i64: 1000, 1>}, {pipeline_mode = #tpu.pipeline_mode<synchronous>, transform_indices = @transform_3, window_bounds = array<i64: 64, 64>}, {transform_indices = @transform_4, window_bounds = array<i64: 1000, 128>}]} {
    %get3A = arith.constant 0 : index
    %get3A_0 = arith.constant 0 : index
    %get3A_1 = vector.load %arg3[%get3A, %get3A_0] : memref<1000x1xf32, #tpu.memory_space<vmem>>, vector<1000x1xf32>
    %get3A_2 = arith.constant 0 : index
    %get3A_3 = arith.constant 0 : index
    %get3A_4 = arith.constant 0 : index
    %get3A_5 = vector.load %arg1[%get3A_2, %get3A_3, %get3A_4] : memref<2x1000x128xf32, #tpu.memory_space<vmem>>, vector<1x1000x128xf32>
    %get3A_6 = vector.shape_cast %get3A_5 : vector<1x1000x128xf32> to vector<1000x128xf32>
    %slice3A = vector.extract_strided_slice %get3A_6 {offsets = [0, 0], sizes = [1000, 64], strides = [1, 1]} : vector<1000x128xf32> to vector<1000x64xf32>
    %get3A_7 = arith.constant 1 : index
    %get3A_8 = arith.constant 0 : index
    %get3A_9 = arith.constant 0 : index
    %get3A_10 = vector.load %arg1[%get3A_7, %get3A_8, %get3A_9] : memref<2x1000x128xf32, #tpu.memory_space<vmem>>, vector<1x1000x128xf32>
    %get3A_11 = vector.shape_cast %get3A_10 : vector<1x1000x128xf32> to vector<1000x128xf32>
    %slice3A_12 = vector.extract_strided_slice %get3A_11 {offsets = [0, 0], sizes = [1000, 64], strides = [1, 1]} : vector<1000x128xf32> to vector<1000x64xf32>
    %add3A = arith.addf %slice3A, %slice3A_12 : vector<1000x64xf32>
    %get3A_13 = arith.constant 0 : index
    %get3A_14 = arith.constant 0 : index
    %get3A_15 = vector.load %arg2[%get3A_13, %get3A_14] : memref<1000x128xf32, #tpu.memory_space<vmem>>, vector<1000x128xf32>
    %slice3A_16 = vector.extract_strided_slice %get3A_15 {offsets = [0, 0], sizes = [1000, 64], strides = [1, 1]} : vector<1000x128xf32> to vector<1000x64xf32>
    %add3A_17 = arith.addf %add3A, %slice3A_16 : vector<1000x64xf32>
    %mul3A = vector.broadcast %get3A_1 : vector<1000x1xf32> to vector<1000x64xf32>
    %mul3A_18 = arith.mulf %mul3A, %add3A_17 : vector<1000x64xf32>
    %max3A = arith.constant 0.000000e+00 : f32
    %max3A_19 = vector.broadcast %max3A : f32 to vector<1000x64xf32>
    %max3A_20 = arith.maximumf %mul3A_18, %max3A_19 : vector<1000x64xf32>
    %get3A_21 = arith.constant 0 : index
    %get3A_22 = arith.constant 0 : index
    %get3A_23 = vector.load %arg4[%get3A_21, %get3A_22] : memref<64x64xf32, #tpu.memory_space<vmem>>, vector<64x64xf32>
    %dot_general3A = arith.constant dense<0.000000e+00> : vector<1000x64xf32>
    %dot_general3A_24 = tpu.matmul %max3A_20, %get3A_23, %dot_general3A {dimension_numbers = #tpu.dot_dimension_numbers<[1], [0], [0], [1], [0, 0, 1, 1], [], []>, transpose_lhs_hint = false} : vector<1000x64xf32>, vector<64x64xf32>, vector<1000x64xf32> -> vector<1000x64xf32>
    %mul3A_25 = vector.broadcast %get3A_1 : vector<1000x1xf32> to vector<1000x64xf32>
    %mul3A_26 = arith.mulf %mul3A_25, %dot_general3A_24 : vector<1000x64xf32>
    %broadcast_in_dim3A = arith.constant 0.000000e+00 : f32
    %broadcast_in_dim3A_27 = vector.broadcast %broadcast_in_dim3A : f32 to vector<1000x64xf32>
    %concatenate3A = tpu.concatenate %mul3A_26, %broadcast_in_dim3A_27 in 1 : vector<1000x64xf32>, vector<1000x64xf32> -> vector<1000x128xf32>
    %swap3A = arith.constant 0 : index
    %swap3A_28 = arith.constant 0 : index
    %swap3A_29 = vector.load %arg5[%swap3A, %swap3A_28] : memref<1000x128xf32, #tpu.memory_space<vmem>>, vector<1000x128xf32>
    tpu.vector_store %arg5[%swap3A, %swap3A_28], %concatenate3A {strides = array<i32>} : memref<1000x128xf32, #tpu.memory_space<vmem>>, vector<1000x128xf32>,
    return
  }
  func.func @transform_0(%arg0: i32) -> (i32, i32, i32) {
    %c0_i32 = arith.constant 0 : i32
    %c0_i32_0 = arith.constant 0 : i32
    %c0_i32_1 = arith.constant 0 : i32
    return %c0_i32, %arg0, %c0_i32_0 : i32, i32, i32
  }
  func.func @transform_1(%arg0: i32) -> (i32, i32) {
    %c0_i32 = arith.constant 0 : i32
    %c0_i32_0 = arith.constant 0 : i32
    return %arg0, %c0_i32 : i32, i32
  }
  func.func @transform_2(%arg0: i32) -> (i32, i32) {
    %c0_i32 = arith.constant 0 : i32
    %c0_i32_0 = arith.constant 0 : i32
    return %arg0, %c0_i32 : i32, i32
  }
  func.func @transform_3(%arg0: i32) -> (i32, i32) {
    %c0_i32 = arith.constant 0 : i32
    %c0_i32_0 = arith.constant 0 : i32
    %c0_i32_1 = arith.constant 0 : i32
    return %c0_i32, %c0_i32_0 : i32, i32
  }
  func.func @transform_4(%arg0: i32) -> (i32, i32) {
    %c0_i32 = arith.constant 0 : i32
    %c0_i32_0 = arith.constant 0 : i32
    return %arg0, %c0_i32 : i32, i32
  }
}

module attributes {stable_mosaic.version = 14 : i64} {
  func.func @_mid_body(%arg0: i32, %arg1: memref<2x1000x128xf32, #tpu.memory_space<vmem>>, %arg2: memref<1000x128xf32, #tpu.memory_space<vmem>>, %arg3: memref<1000x1xf32, #tpu.memory_space<vmem>>, %arg4: memref<128x64xf32, #tpu.memory_space<vmem>>, %arg5: memref<1000x128xf32, #tpu.memory_space<vmem>>) attributes {dimension_semantics = [#tpu.dimension_semantics<arbitrary>], iteration_bounds = array<i64: 10>, scalar_prefetch = 0 : i64, scratch_operands = 0 : i64, tpu.core_type = #tpu.core_type<tc>, window_params = [{transform_indices = @transform_0, window_bounds = array<i64: 2, 1000, 128>}, {transform_indices = @transform_1, window_bounds = array<i64: 1000, 128>}, {transform_indices = @transform_2, window_bounds = array<i64: 1000, 1>}, {pipeline_mode = #tpu.pipeline_mode<synchronous>, transform_indices = @transform_3, window_bounds = array<i64: 128, 64>}, {transform_indices = @transform_4, window_bounds = array<i64: 1000, 128>}]} {
    %get3A = arith.constant 0 : index
    %get3A_0 = arith.constant 0 : index
    %get3A_1 = vector.load %arg3[%get3A, %get3A_0] : memref<1000x1xf32, #tpu.memory_space<vmem>>, vector<1000x1xf32>
    %get3A_2 = arith.constant 0 : index
    %get3A_3 = arith.constant 0 : index
    %get3A_4 = arith.constant 0 : index
    %get3A_5 = vector.load %arg1[%get3A_2, %get3A_3, %get3A_4] : memref<2x1000x128xf32, #tpu.memory_space<vmem>>, vector<1x1000x128xf32>
    %get3A_6 = vector.shape_cast %get3A_5 : vector<1x1000x128xf32> to vector<1000x128xf32>
    %get3A_7 = arith.constant 1 : index
    %get3A_8 = arith.constant 0 : index
    %get3A_9 = arith.constant 0 : index
    %get3A_10 = vector.load %arg1[%get3A_7, %get3A_8, %get3A_9] : memref<2x1000x128xf32, #tpu.memory_space<vmem>>, vector<1x1000x128xf32>
    %get3A_11 = vector.shape_cast %get3A_10 : vector<1x1000x128xf32> to vector<1000x128xf32>
    %add3A = arith.addf %get3A_6, %get3A_11 : vector<1000x128xf32>
    %get3A_12 = arith.constant 0 : index
    %get3A_13 = arith.constant 0 : index
    %get3A_14 = vector.load %arg2[%get3A_12, %get3A_13] : memref<1000x128xf32, #tpu.memory_space<vmem>>, vector<1000x128xf32>
    %add3A_15 = arith.addf %add3A, %get3A_14 : vector<1000x128xf32>
    %mul3A = vector.broadcast %get3A_1 : vector<1000x1xf32> to vector<1000x128xf32>
    %mul3A_16 = arith.mulf %mul3A, %add3A_15 : vector<1000x128xf32>
    %ge3A = arith.constant 0.000000e+00 : f32
    %ge3A_17 = vector.broadcast %ge3A : f32 to vector<1000x128xf32>
    %ge3A_18 = arith.cmpf oge, %mul3A_16, %ge3A_17 : vector<1000x128xf32>
    %mul3A_19 = arith.constant 3.000000e-01 : f32
    %mul3A_20 = vector.broadcast %mul3A_19 : f32 to vector<1000x128xf32>
    %mul3A_21 = arith.mulf %mul3A_20, %mul3A_16 : vector<1000x128xf32>
    %select_n3A = arith.select %ge3A_18, %mul3A_16, %mul3A_21 : vector<1000x128xi1>, vector<1000x128xf32>
    %get3A_22 = arith.constant 0 : index
    %get3A_23 = arith.constant 0 : index
    %get3A_24 = vector.load %arg4[%get3A_22, %get3A_23] : memref<128x64xf32, #tpu.memory_space<vmem>>, vector<128x64xf32>
    %dot_general3A = arith.constant dense<0.000000e+00> : vector<1000x64xf32>
    %dot_general3A_25 = tpu.matmul %select_n3A, %get3A_24, %dot_general3A {dimension_numbers = #tpu.dot_dimension_numbers<[1], [0], [0], [1], [0, 0, 1, 1], [], []>, transpose_lhs_hint = false} : vector<1000x128xf32>, vector<128x64xf32>, vector<1000x64xf32> -> vector<1000x64xf32>
    %mul3A_26 = vector.broadcast %get3A_1 : vector<1000x1xf32> to vector<1000x64xf32>
    %mul3A_27 = arith.mulf %mul3A_26, %dot_general3A_25 : vector<1000x64xf32>
    %broadcast_in_dim3A = arith.constant 0.000000e+00 : f32
    %broadcast_in_dim3A_28 = vector.broadcast %broadcast_in_dim3A : f32 to vector<1000x64xf32>
    %concatenate3A = tpu.concatenate %mul3A_27, %broadcast_in_dim3A_28 in 1 : vector<1000x64xf32>, vector<1000x64xf32> -> vector<1000x128xf32>
    %swap3A = arith.constant 0 : index
    %swap3A_29 = arith.constant 0 : index
    %swap3A_30 = vector.load %arg5[%swap3A, %swap3A_29] : memref<1000x128xf32, #tpu.memory_space<vmem>>, vector<1000x128xf32>
    tpu.vector_store %arg5[%swap3A, %swap3A_29], %concatenate3A {strides = array<i32>} : memref<1000x128xf32, #tpu.memory_space<vmem>>, vector<1000x128xf32>,
    return
  }
  func.func @transform_0(%arg0: i32) -> (i32, i32, i32) {
    %c0_i32 = arith.constant 0 : i32
    %c0_i32_0 = arith.constant 0 : i32
    %c0_i32_1 = arith.constant 0 : i32
    return %c0_i32, %arg0, %c0_i32_0 : i32, i32, i32
  }
  func.func @transform_1(%arg0: i32) -> (i32, i32) {
    %c0_i32 = arith.constant 0 : i32
    %c0_i32_0 = arith.constant 0 : i32
    return %arg0, %c0_i32 : i32, i32
  }
  func.func @transform_2(%arg0: i32) -> (i32, i32) {
    %c0_i32 = arith.constant 0 : i32
    %c0_i32_0 = arith.constant 0 : i32
    return %arg0, %c0_i32 : i32, i32
  }
  func.func @transform_3(%arg0: i32) -> (i32, i32) {
    %c0_i32 = arith.constant 0 : i32
    %c0_i32_0 = arith.constant 0 : i32
    %c0_i32_1 = arith.constant 0 : i32
    return %c0_i32, %c0_i32_0 : i32, i32
  }
  func.func @transform_4(%arg0: i32) -> (i32, i32) {
    %c0_i32 = arith.constant 0 : i32
    %c0_i32_0 = arith.constant 0 : i32
    return %arg0, %c0_i32 : i32, i32
  }
}

module attributes {stable_mosaic.version = 14 : i64} {
  func.func @_fin_body(%arg0: i32, %arg1: memref<2x1000x128xf32, #tpu.memory_space<vmem>>, %arg2: memref<1000x128xf32, #tpu.memory_space<vmem>>, %arg3: memref<1000x1xf32, #tpu.memory_space<vmem>>, %arg4: memref<1x64xf32, #tpu.memory_space<vmem>>, %arg5: memref<1000x1xi32, #tpu.memory_space<vmem>>, %arg6: memref<1000x64xf32, #tpu.memory_space<vmem>>, %arg7: memref<64x32xf32, #tpu.memory_space<vmem>>, %arg8: memref<64x33xf32, #tpu.memory_space<vmem>>) attributes {dimension_semantics = [#tpu.dimension_semantics<arbitrary>], iteration_bounds = array<i64: 10>, scalar_prefetch = 0 : i64, scratch_operands = 1 : i64, tpu.core_type = #tpu.core_type<tc>, window_params = [{transform_indices = @transform_0, window_bounds = array<i64: 2, 1000, 128>}, {transform_indices = @transform_1, window_bounds = array<i64: 1000, 128>}, {transform_indices = @transform_2, window_bounds = array<i64: 1000, 1>}, {pipeline_mode = #tpu.pipeline_mode<synchronous>, transform_indices = @transform_3, window_bounds = array<i64: 1, 64>}, {transform_indices = @transform_4, window_bounds = array<i64: 1000, 1>}, {transform_indices = @transform_5, window_bounds = array<i64: 1000, 64>}, {pipeline_mode = #tpu.pipeline_mode<synchronous>, transform_indices = @transform_6, window_bounds = array<i64: 64, 32>}]} {
    %get3A = arith.constant 0 : index
    %get3A_0 = arith.constant 0 : index
    %get3A_1 = vector.load %arg3[%get3A, %get3A_0] : memref<1000x1xf32, #tpu.memory_space<vmem>>, vector<1000x1xf32>
    %get3A_2 = arith.constant 0 : index
    %get3A_3 = arith.constant 0 : index
    %get3A_4 = arith.constant 0 : index
    %get3A_5 = vector.load %arg1[%get3A_2, %get3A_3, %get3A_4] : memref<2x1000x128xf32, #tpu.memory_space<vmem>>, vector<1x1000x128xf32>
    %get3A_6 = vector.shape_cast %get3A_5 : vector<1x1000x128xf32> to vector<1000x128xf32>
    %slice3A = vector.extract_strided_slice %get3A_6 {offsets = [0, 0], sizes = [1000, 64], strides = [1, 1]} : vector<1000x128xf32> to vector<1000x64xf32>
    %get3A_7 = arith.constant 1 : index
    %get3A_8 = arith.constant 0 : index
    %get3A_9 = arith.constant 0 : index
    %get3A_10 = vector.load %arg1[%get3A_7, %get3A_8, %get3A_9] : memref<2x1000x128xf32, #tpu.memory_space<vmem>>, vector<1x1000x128xf32>
    %get3A_11 = vector.shape_cast %get3A_10 : vector<1x1000x128xf32> to vector<1000x128xf32>
    %slice3A_12 = vector.extract_strided_slice %get3A_11 {offsets = [0, 0], sizes = [1000, 64], strides = [1, 1]} : vector<1000x128xf32> to vector<1000x64xf32>
    %add3A = arith.addf %slice3A, %slice3A_12 : vector<1000x64xf32>
    %get3A_13 = arith.constant 0 : index
    %get3A_14 = arith.constant 0 : index
    %get3A_15 = vector.load %arg2[%get3A_13, %get3A_14] : memref<1000x128xf32, #tpu.memory_space<vmem>>, vector<1000x128xf32>
    %slice3A_16 = vector.extract_strided_slice %get3A_15 {offsets = [0, 0], sizes = [1000, 64], strides = [1, 1]} : vector<1000x128xf32> to vector<1000x64xf32>
    %add3A_17 = arith.addf %add3A, %slice3A_16 : vector<1000x64xf32>
    %mul3A = vector.broadcast %get3A_1 : vector<1000x1xf32> to vector<1000x64xf32>
    %mul3A_18 = arith.mulf %mul3A, %add3A_17 : vector<1000x64xf32>
    %get3A_19 = arith.constant 0 : index
    %get3A_20 = arith.constant 0 : index
    %get3A_21 = vector.load %arg4[%get3A_19, %get3A_20] : memref<1x64xf32, #tpu.memory_space<vmem>>, vector<1x64xf32>
    %add3A_22 = vector.broadcast %get3A_21 : vector<1x64xf32> to vector<1000x64xf32>
    %add3A_23 = arith.addf %mul3A_18, %add3A_22 : vector<1000x64xf32>
    %swap3A = arith.constant 0 : index
    %swap3A_24 = arith.constant 0 : index
    %swap3A_25 = vector.load %arg6[%swap3A, %swap3A_24] : memref<1000x64xf32, #tpu.memory_space<vmem>>, vector<1000x64xf32>
    tpu.vector_store %arg6[%swap3A, %swap3A_24], %add3A_23 {strides = array<i32>} : memref<1000x64xf32, #tpu.memory_space<vmem>>, vector<1000x64xf32>,
    %eq3A = arith.constant 0 : i32
    %eq3A_26 = arith.cmpi eq, %arg0, %eq3A : i32
    %convert_element_type3A = arith.extui %eq3A_26 : i1 to i32
    %cond3A = arith.constant 0 : i32
    %cond3A_27 = arith.cmpi ne, %convert_element_type3A, %cond3A : i32
    scf.if %cond3A_27 {
      %broadcast_in_dim3A_50 = arith.constant 0.000000e+00 : f32
      %broadcast_in_dim3A_51 = vector.broadcast %broadcast_in_dim3A_50 : f32 to vector<64x33xf32>
      %swap3A_52 = arith.constant 0 : index
      %swap3A_53 = arith.constant 0 : index
      %swap3A_54 = vector.load %arg8[%swap3A_52, %swap3A_53] : memref<64x33xf32, #tpu.memory_space<vmem>>, vector<64x33xf32>
      tpu.vector_store %arg8[%swap3A_52, %swap3A_53], %broadcast_in_dim3A_51 {strides = array<i32>} : memref<64x33xf32, #tpu.memory_space<vmem>>, vector<64x33xf32>,
    } else {
    }
    %get3A_28 = arith.constant 0 : index
    %get3A_29 = arith.constant 0 : index
    %get3A_30 = vector.load %arg5[%get3A_28, %get3A_29] : memref<1000x1xi32, #tpu.memory_space<vmem>>, vector<1000x1xi32>
    %iota3A = tpu.iota {dimensions = array<i32: 1>} : vector<1000x64xi32>
    %eq3A_31 = vector.broadcast %get3A_30 : vector<1000x1xi32> to vector<1000x64xi32>
    %eq3A_32 = arith.cmpi eq, %eq3A_31, %iota3A : vector<1000x64xi32>
    %convert_element_type3A_33 = arith.extui %eq3A_32 : vector<1000x64xi1> to vector<1000x64xi32>
    %convert_element_type3A_34 = arith.sitofp %convert_element_type3A_33 : vector<1000x64xi32> to vector<1000x64xf32>
    %slice3A_35 = vector.extract_strided_slice %add3A_23 {offsets = [0, 0], sizes = [1000, 32], strides = [1, 1]} : vector<1000x64xf32> to vector<1000x32xf32>
    %broadcast_in_dim3A = arith.constant 1.000000e+00 : f32
    %broadcast_in_dim3A_36 = vector.broadcast %broadcast_in_dim3A : f32 to vector<1000x1xf32>
    %concatenate3A = tpu.concatenate %slice3A_35, %broadcast_in_dim3A_36 in 1 : vector<1000x32xf32>, vector<1000x1xf32> -> vector<1000x33xf32>
    %get3A_37 = arith.constant 0 : index
    %get3A_38 = arith.constant 0 : index
    %get3A_39 = vector.load %arg8[%get3A_37, %get3A_38] : memref<64x33xf32, #tpu.memory_space<vmem>>, vector<64x33xf32>
    %dot_general3A = arith.constant dense<0.000000e+00> : vector<64x33xf32>
    %dot_general3A_40 = tpu.matmul %convert_element_type3A_34, %concatenate3A, %dot_general3A {dimension_numbers = #tpu.dot_dimension_numbers<[0], [0], [1], [1], [0, 1, 1, 1], [], []>, transpose_lhs_hint = false} : vector<1000x64xf32>, vector<1000x33xf32>, vector<64x33xf32> -> vector<64x33xf32>
    %add3A_41 = arith.addf %get3A_39, %dot_general3A_40 : vector<64x33xf32>
    %swap3A_42 = arith.constant 0 : index
    %swap3A_43 = arith.constant 0 : index
    %swap3A_44 = vector.load %arg8[%swap3A_42, %swap3A_43] : memref<64x33xf32, #tpu.memory_space<vmem>>, vector<64x33xf32>
    tpu.vector_store %arg8[%swap3A_42, %swap3A_43], %add3A_41 {strides = array<i32>} : memref<64x33xf32, #tpu.memory_space<vmem>>, vector<64x33xf32>,
    %eq3A_45 = arith.constant 9 : i32
    %eq3A_46 = arith.cmpi eq, %arg0, %eq3A_45 : i32
    %convert_element_type3A_47 = arith.extui %eq3A_46 : i1 to i32
    %cond3A_48 = arith.constant 0 : i32
    %cond3A_49 = arith.cmpi ne, %convert_element_type3A_47, %cond3A_48 : i32
    scf.if %cond3A_49 {
      %get3A_50 = arith.constant 0 : index
      %get3A_51 = arith.constant 0 : index
      %get3A_52 = vector.load %arg8[%get3A_50, %get3A_51] : memref<64x33xf32, #tpu.memory_space<vmem>>, vector<64x33xf32>
      %slice3A_53 = vector.extract_strided_slice %get3A_52 {offsets = [0, 0], sizes = [64, 32], strides = [1, 1]} : vector<64x33xf32> to vector<64x32xf32>
      %slice3A_54 = vector.extract_strided_slice %get3A_52 {offsets = [0, 32], sizes = [64, 1], strides = [1, 1]} : vector<64x33xf32> to vector<64x1xf32>
      %max3A = arith.constant 1.000000e+00 : f32
      %max3A_55 = vector.broadcast %max3A : f32 to vector<64x1xf32>
      %max3A_56 = arith.maximumf %slice3A_54, %max3A_55 : vector<64x1xf32>
      %div3A = vector.broadcast %max3A_56 : vector<64x1xf32> to vector<64x32xf32>
      %div3A_57 = arith.divf %slice3A_53, %div3A : vector<64x32xf32>
      %swap3A_58 = arith.constant 0 : index
      %swap3A_59 = arith.constant 0 : index
      %swap3A_60 = vector.load %arg7[%swap3A_58, %swap3A_59] : memref<64x32xf32, #tpu.memory_space<vmem>>, vector<64x32xf32>
      tpu.vector_store %arg7[%swap3A_58, %swap3A_59], %div3A_57 {strides = array<i32>} : memref<64x32xf32, #tpu.memory_space<vmem>>, vector<64x32xf32>,
    } else {
    }
    return
  }
  func.func @transform_0(%arg0: i32) -> (i32, i32, i32) {
    %c0_i32 = arith.constant 0 : i32
    %c0_i32_0 = arith.constant 0 : i32
    %c0_i32_1 = arith.constant 0 : i32
    return %c0_i32, %arg0, %c0_i32_0 : i32, i32, i32
  }
  func.func @transform_1(%arg0: i32) -> (i32, i32) {
    %c0_i32 = arith.constant 0 : i32
    %c0_i32_0 = arith.constant 0 : i32
    return %arg0, %c0_i32 : i32, i32
  }
  func.func @transform_2(%arg0: i32) -> (i32, i32) {
    %c0_i32 = arith.constant 0 : i32
    %c0_i32_0 = arith.constant 0 : i32
    return %arg0, %c0_i32 : i32, i32
  }
  func.func @transform_3(%arg0: i32) -> (i32, i32) {
    %c0_i32 = arith.constant 0 : i32
    %c0_i32_0 = arith.constant 0 : i32
    %c0_i32_1 = arith.constant 0 : i32
    return %c0_i32, %c0_i32_0 : i32, i32
  }
  func.func @transform_4(%arg0: i32) -> (i32, i32) {
    %c0_i32 = arith.constant 0 : i32
    %c0_i32_0 = arith.constant 0 : i32
    return %arg0, %c0_i32 : i32, i32
  }
  func.func @transform_5(%arg0: i32) -> (i32, i32) {
    %c0_i32 = arith.constant 0 : i32
    %c0_i32_0 = arith.constant 0 : i32
    return %arg0, %c0_i32 : i32, i32
  }
  func.func @transform_6(%arg0: i32) -> (i32, i32) {
    %c0_i32 = arith.constant 0 : i32
    %c0_i32_0 = arith.constant 0 : i32
    %c0_i32_1 = arith.constant 0 : i32
    return %c0_i32, %c0_i32_0 : i32, i32
  }
}

</mosaic_0001>

<sc_bundles>
// kernel: kernel.11.cloned.1.call-start
scs
__scs_entry_jumppad:
0x0: {  	(pc) =	sbr.rel $0x88, $3  }
0x1: {  	(tag) =	ssettag $0x0;
	lr =	simm.s32 $0x1  }
0x2: {  	[smem:$0x3F98] =	sst lr;
	_ =	strace $0xD0000000  }
0x3: {  	_ = 	snop  }
0x4: {  	_ = 	snop  }
0x5: {  	_ = 	snop  }
0x6: {  	_ = 	snop  }
0x7: {  	_ = 	snop  }
__scs_overlays_trampoline_lowered:
0x8: {  	[smem:$0x3FA7] =	sst s0  }
0x9: {  	[smem:$0x3FA8] =	sst s1  }
0xa: {  	[smem:$0x3FA9] =	sst s2  }
0xb: {  	[smem:$0x3FAA] =	sst s3  }
0xc: {  	[smem:$0x3FAB] =	sst s4  }
0xd: {  	[smem:$0x3FAC] =	sst s5  }
0xe: {  	[smem:$0x3FAD] =	sst s6  }
0xf: {  	[smem:$0x3FAE] =	sst s7  }
0x10: {  	[smem:$0x3FAF] =	sst s8  }
0x11: {  	[smem:$0x3FB0] =	sst s9;
	s0 =	simm.s32 @!p0 $0x0  }
0x12: {  	s1 =	sld [smem:$0x3F96];
	s0 =	simm.s32 @p0 $0x1  }
0x13: {  	[smem:$0x3FB1] =	sst s0;
	s0 =	simm.s32 @!p1 $0x0  }
0x14: {  	s2 =	sld [smem:$0x3F95];
	s0 =	simm.s32 @p1 $0x1  }
0x15: {  	[smem:$0x3FB2] =	sst s0;
	s0 =	simm.s32 @!p2 $0x0  }
0x16: {  	s3 =	sld [smem:$0x3FDB];
	s0 =	simm.s32 @p2 $0x1  }
0x17: {  	s4 =	simm.s32 $0x1BF5;
	[smem:$0x3FB4] =	sst s0  }
0x18: {  	s0 =	sld [smem:$0x3F97];
	_ =	swait.ge [sflag:s4], $0x0  }
0x19: {  	s7 =	sld [smem:$0x3F98]  }
0x1a: {  	s8 =	sadd.s32 $0xFFFFE003, lr  }
0x1b: {  	s9 =	sadd.s32 $0xFFFFFEF7, lr;
	s5 =	simm.s32 $0xFFFFFFFF;
	p2 =	slt.u32 s8, $0xFFFFF086  }
0x1c: {  	p1 =	slt.u32 s9, $0xF7A;
	s5 =	simm.s32 @!p2 $0x0  }
0x1d: {  	s5 =	simm.s32 @p1 $0x1;
	p0 =	seq.s32 s7, s2  }
0x1e: {  	s7 =	smul.u32 @!p0 $0xF7A, s2;
	p2 =	seq.s32 @!p0 s5, $0x0  }
0x1f: {  	s9 =	smul.u32 $0xF7A, s1;
	s8 =	simm.s32 @!p0 $0x1BF5;
	p2 =	por !p2, p0  }
0x20: {  	[sflag:s8] =	ssyncset.s32 @!p0 $0xFFFFF086;
	s6 =	sadd.s32 @!p0 s3, s7;
	s7 =	simm.s32 @!p0 $0x108  }
0x21: {  	s3 =	sadd.s32 s3, s9;
	s6 =	sadd.s32 @!p0 $0x88, s6;
	s7 =	simm.s32 @p2 $0x1082  }
0x22: {  	[simem:s7], [sflag:s8] =	dma.local @!p0 [hbm:s6], $0xF7A  }
0x23: {  	s9 =	sor.u32 $0xD0000000, s2;
	s6 =	simm.s32 $0x108;
	_ =	swait.ge @!p0 [sflag:s8], $0x0  }
0x24: {  	s3 =	sadd.s32 $0x88, s3;
	s6 =	simm.s32 @!p1 $0x1082;
	[sflag:s4] =	ssyncset.s32 $0xFFFFF086  }
0x25: {  	[simem:s6], [sflag:s4] =	dma.local [hbm:s3], $0xF7A  }
0x26: {  	[smem:$0x3F98] =	sst s1;
	(tag) =	ssettag s2;
	_ =	strace s9  }
0x27: {  	s1 =	sld [smem:$0x3FA8]  }
0x28: {  	s2 =	sld [smem:$0x3FA9]  }
0x29: {  	s4 =	sld [smem:$0x3FAB]  }
0x2a: {  	p0 =	seq.s32 s5, $0x0;
	s5 =	sld [smem:$0x3FAC]  }
0x2b: {  	s6 =	sld [smem:$0x3FAD]  }
0x2c: {  	s7 =	sld [smem:$0x3FAE]  }
0x2d: {  	s3 =	simm.s32 $0x108;
	s8 =	sld [smem:$0x3FAF]  }
0x2e: {  	s3 =	simm.s32 @!p0 $0x1082;
	s9 =	sld [smem:$0x3FB0]  }
0x2f: {  	lr =	sadd.s32 s0, s3;
	s0 =	sld [smem:$0x3FA7]  }
0x30: {  	s3 =	sld [smem:$0x3FAA]  }
0x31: {  	[smem:$0x3FB3] =	sst s10  }
0x32: {  	s10 =	sld [smem:$0x3FB1];
	_ =	sdelay $0x3  }
0x33: {  	p0 =	seq.s32 s10, $0x1;
	s10 =	sld [smem:$0x3FB3];
	_ =	sdelay $0x3  }
0x34: {  	[smem:$0x3FB3] =	sst s10  }
0x35: {  	s10 =	sld [smem:$0x3FB2];
	_ =	sdelay $0x3  }
0x36: {  	p1 =	seq.s32 s10, $0x1;
	s10 =	sld [smem:$0x3FB3];
	_ =	sdelay $0x3  }
0x37: {  	[smem:$0x3FB3] =	sst s10  }
0x38: {  	s10 =	sld [smem:$0x3FB4]  }
0x39: {  	_ = 	snop;
	(pc) =	sbr.ind lr, $3  }
0x3a: {  	_ = 	snop  }
0x3b: {  	_ = 	snop  }
0x3c: {  	p2 =	seq.s32 s10, $0x1;
	s10 =	sld [smem:$0x3FB3]  }
0x3d: {  	_ =	shalt  }
0x3e: {  	_ =	shalt  }
0x3f: {  	_ =	shalt  }
0x40: {  	_ =	shalt  }
0x41: {  	_ =	shalt  }
0x42: {  	_ =	shalt  }
0x43: {  	_ =	shalt  }
0x44: {  	_ =	shalt  }
0x45: {  	_ =	shalt  }
0x46: {  	_ =	shalt  }
0x47: {  	_ =	shalt  }
0x48: {  	_ =	shalt  }
0x49: {  	_ =	shalt  }
0x4a: {  	_ =	shalt  }
0x4b: {  	_ =	shalt  }
0x4c: {  	_ =	shalt  }
0x4d: {  	_ =	shalt  }
0x4e: {  	_ =	shalt  }
0x4f: {  	_ =	shalt  }
0x50: {  	_ =	shalt  }
0x51: {  	_ =	shalt  }
0x52: {  	_ =	shalt  }
0x53: {  	_ =	shalt  }
0x54: {  	_ =	shalt  }
0x55: {  	_ =	shalt  }
0x56: {  	_ =	shalt  }
0x57: {  	_ =	shalt  }
0x58: {  	_ =	shalt  }
0x59: {  	_ =	shalt  }
0x5a: {  	_ =	shalt  }
0x5b: {  	_ =	shalt  }
0x5c: {  	_ =	shalt  }
0x5d: {  	_ =	shalt  }
0x5e: {  	_ =	shalt  }
0x5f: {  	_ =	shalt  }
0x60: {  	_ =	shalt  }
0x61: {  	_ =	shalt  }
0x62: {  	_ =	shalt  }
0x63: {  	_ =	shalt  }
0x64: {  	_ =	shalt  }
0x65: {  	_ =	shalt  }
0x66: {  	_ =	shalt  }
0x67: {  	_ =	shalt  }
0x68: {  	_ =	shalt  }
0x69: {  	_ =	shalt  }
0x6a: {  	_ =	shalt  }
0x6b: {  	_ =	shalt  }
0x6c: {  	_ =	shalt  }
0x6d: {  	_ =	shalt  }
0x6e: {  	_ =	shalt  }
0x6f: {  	_ =	shalt  }
0x70: {  	_ =	shalt  }
0x71: {  	_ =	shalt  }
0x72: {  	_ =	shalt  }
0x73: {  	_ =	shalt  }
0x74: {  	_ =	shalt  }
0x75: {  	_ =	shalt  }
0x76: {  	_ =	shalt  }
0x77: {  	_ =	shalt  }
0x78: {  	_ =	shalt  }
0x79: {  	_ =	shalt  }
0x7a: {  	_ =	shalt  }
0x7b: {  	_ =	shalt  }
0x7c: {  	_ =	shalt  }
0x7d: {  	_ =	shalt  }
0x7e: {  	_ =	shalt  }
0x7f: {  	_ =	shalt  }
0x80: {  	_ =	shalt  }
0x81: {  	_ =	shalt  }
0x82: {  	_ =	shalt  }
0x83: {  	_ =	shalt  }
0x84: {  	_ =	shalt  }
0x85: {  	_ =	shalt  }
0x86: {  	_ =	shalt  }
0x87: {  	_ =	shalt  }
.Lfunc_end0:
.L_simem_size_0:
called_computation_lowered:
.L_overlay_start_0:
0x88: {  	s2 =	sld [smem:$0x3FD9]  }
0x89: {  	s3 =	sld [smem:$0x3FFE];
	_ =	sdelay $0x1  }
0x8a: {  	s1 =	srdreg.scid  }
0x8b: {  	s0 =	sand.u32 $0x1, s1  }
0x8c: {  	s14 =	sshll.u32 s0, $0xA;
	s2 =	sadd.s32 s3, s2  }
0x8d: {  	s2 =	sadd.s32 s2, s14  }
0x8e: {  	[smem:$0x3FBF] =	sst s2  }
0x8f: {  	_ = 	snop  }
0x90: {  	s2 =	sld [smem:$0x3FD0];
	_ =	sdelay $0x2  }
0x91: {  	s15 =	simm.s32 $0xA;
	s4 =	simm.s32 $0x10  }
0x92: {  	[smem:s4], [sflag:s15] =	dma.local [hbm:s2], $0x1  }
0x93: {  	_ =	swait.eq [sflag:s15], $0x1  }
0x94: {  	[sflag:s15] =	ssyncset.done $0x0  }
0x95: {  	s16 =	sld [smem:$0x10];
	[sflag:s15] =	ssyncadd.s32 $0xFFFFFFFF  }
0x96: {  	s17 =	sld [smem:$0x11];
	(tm) =	ssettm $0x1  }
0x97: {  	s18 =	sld [smem:$0x3FFB];
	_ =	sdelay $0x3  }
0x98: {  	_ =	strace s18  }
0x99: {  	s4 =	sld [smem:$0x3FFC];
	_ =	sdelay $0x3  }
0x9a: {  	_ =	strace s4  }
0x9b: {  	s4 =	sld [smem:$0x3FFD];
	_ =	sdelay $0x3  }
0x9c: {  	_ =	strace s4  }
0x9d: {  	_ =	strace $0x8FFFFFFF  }
0x9e: {  	s19 =	sld [smem:$0x3FDB];
	_ =	sdelay $0x1  }
0x9f: {  	s5 =	simm.s32 $_scs_section_size  }
0xa0: {  	s6 =	simm.s32 $_size__tile_overlayer_lowered;
	s7 =	simm.s32 $_tile_overlayer_lowered  }
0xa1: {  	s22 =	simm.s32 $0x1BFF;
	s21 =	sshll.u32 s7, $0x1;
	s4 =	sadd.s32 s5, s19  }
0xa2: {  	s8 =	simm.s32 $0x0;
	s20 =	sshll.u32 s6, $0x1;
	s6 =	sadd.s32 s21, s4  }
0xa3: {  	[timem:s8], [sflag:s22] =	dma.local [hbm:s6], s20  }
0xa4: {  	_ =	swait.ge [sflag:s22], s20  }
0xa5: {  	s5 =	ssub.s32 $0x0, s20;
	[sflag:s22] =	ssyncset.done $0x0  }
0xa6: {  	[sflag:s22] =	ssyncadd.s32 s5;
	_ =	sdelay $0x1  }
0xa7: {  	s23 =	simm.s32 $0x1B8B  }
0xa8: {  	_ =	swait.ge [sflag:s23], $0x1  }
0xa9: {  	[sflag:s23] =	ssyncset.done $0x0  }
0xaa: {  	s25 =	simm.s32 $0x1B8E;
	s24 =	sld [smem:$0x3FFE];
	[sflag:s23] =	ssyncadd.s32 $0xFFFFFFFF  }
0xab: {  	s26 =	simm.s32 $execute0_lowered;
	[smem:$0x3FD2] =	sst s25  }
0xac: {  	s6 =	sshll.u32 s26, $0x1;
	_ =	strace $0x80000046;
	[dreg:$0x1] =	wrdreg $0xFFFFFFFF  }
0xad: {  	s28 =	simm.s32 $_size_execute0_lowered;
	s4 =	sadd.s32 s4, s6;
	[dreg:$0x0] =	wrdreg $0x0  }
0xae: {  	s6 =	sshll.u32 s28, $0x1;
	[dreg:$0x2] =	wrdreg s4  }
0xaf: {  	[dreg:$0x3] =	wrdreg s6  }
0xb0: {  	[dreg:$0x4] =	wrdreg $0xC0  }
0xb1: {  	_ =	task [dreg:s8], $0x5FFFF  }
0xb2: {  	[dreg:$0x1] =	wrdreg $0xFFFFFFFF  }
0xb3: {  	[dreg:$0x0] =	wrdreg $0x60  }
0xb4: {  	[dreg:$0x2] =	wrdreg s24  }
0xb5: {  	[dreg:$0x3] =	wrdreg s17  }
0xb6: {  	[dreg:$0x4] =	wrdreg s16  }
0xb7: {  	[dreg:$0x5] =	wrdreg $0x0  }
0xb8: {  	[dreg:$0x6] =	wrdreg $0x9  }
0xb9: {  	_ =	task.clear_ibuf [dreg:s8], $0x7FFFF;
	_ =	strace $0x90000046  }
0xba: {  	s29 =	simm.s32 $0x9;
	_ =	strace $0x80000048  }
0xbb: {  	_ =	swait.ge [sflag:s29], $0x1  }
0xbc: {  	[sflag:s29] =	ssyncadd.s32 $0xFFFFFFFF  }
0xbd: {  	_ =	strace $0x90000048  }
0xbe: {  	_ =	sfence  }
0xbf: {  	s30 =	sld [smem:$0x0];
	_ =	sdelay $0x2  }
0xc0: {  	s31 =	sshll.u32 s1, $0xD;
	s1 =	sshrl.u32 s1, $0x2  }
0xc1: {  	s3 =	sand.u32 $0x4000, s31;
	s1 =	sadd.s32 s1, s30  }
0xc2: {  	s0 =	sor.u32 s3, s0;
	s1 =	sshll.u32 s1, $0x11  }
0xc3: {  	s0 =	sor.u32 s1, s0  }
0xc4: {  	s0 =	sadd.s32 $0x8F2B, s0  }
0xc5: {  	[sflag:s0] =	ssyncadd.remote.s32 $0x1  }
0xc6: {  	_ =	sfence.sel $0xFFFF  }
0xc7: {  	[dreg:$0x0] =	wrdreg $0xFFFFFFFF;
	(pc) =	sbr.abs _section_cstart, $3  }
0xc8: {  	[dreg:$0x1] =	wrdreg $0xFFFFFFFF  }
0xc9: {  	_ =	task.clear_ibuf [dreg:s8], $0x2FFFF;
	_ =	strace $0x9FFFFFFF  }
0xca: {  	(tm) =	ssettm $0x7FFFFFFF  }
0xcb: {  	_ =	shalt  }
tec
execute0_lowered:
.L_overlay_start_1:
0x0: {  	(tag) =	ssettag $0x1  }
0x1: {  	s7 =	rddreg [dreg:$0x0]  }
0x2: {  	s1 =	rddreg [dreg:$0x1]  }
0x3: {  	s2 =	rddreg [dreg:$0x2]  }
0x4: {  	s3 =	rddreg [dreg:$0x3];
	s4 =	srdreg.scid  }
0x5: {  	s0 =	rddreg [dreg:$0x4];
	s5 =	simm.s32 $0x0;
	s15 =	simm.s32 $0x6880  }
0x6: {  	s16 =	simm.s32 $0x1;
	s17 =	simm.s32 $0x2880;
	s8 =	sand.u32 $0x1, s4  }
0x7: {  	s18 =	simm.s32 $0x2800;
	s4 =	stileid.u32;
	s9 =	smul.u32 $0x140000, s8  }
0x8: {  	s19 =	simm.s32 $0x80;
	s22 =	simm.s32 $0x0;
	s10 =	smul.u32 $0x14000, s4  }
0x9: {  	[smem:$0x7FF] =	sst s5;
	s6 =	sadd.s32 $0x3800, s7;
	s11 =	smul.u32 $0x50000, s4  }
0xa: {  	_ =	strace $0x80000047;
	s30 =	smul.u32 $0x28000, s8;
	s8 =	ssub.s32 $0x2, s8  }
0xb: {  	s12 =	smul.u32 $0x2800, s4;
	s20 =	sshll.u32 s4, $0x6;
	s31 =	sshrl.u32 s8, $0x1  }
0xc: {  	s20 =	sor.u32 $0x1C01, s20;
	s9 =	sadd.s32 s10, s9;
	s11 =	sshrl.u32 s11, $0x2  }
0xd: {  	s13 =	ssub.s32 s8, s31;
	s8 =	sadd.s32 s12, s30;
	s9 =	sshrl.u32 s9, $0x3  }
0xe: {  	s10 =	smax.u32 s13, $0x1;
	s9 =	sadd.s32 s9, s7;
	s7 =	sadd.s32 s11, s3  }
0xf: {  	s9 =	sadd.s32 $0x17800, s9;
	s11 =	sadd.s32 $0x4000, s7;
	s12 =	sadd.s32 $0x8000, s7  }
0x10: {  	s13 =	sadd.s32 $0xC000, s7;
	s14 =	sadd.s32 $0x10000, s7;
	s21 =	sshrl.u32 s7, $0x3  }
.LBB2_1:
0x11: {  	[tilespmem:s15], [sflag:$0x1] =	stream.linear.gather [hbm4b:s2+s5], $0x4000, $0x38;
	[tilespmem:$0xA880] =	vst v63  }
0x12: {  	_ =	swait.ge [sflag:s16], $0x4000  }
0x13: {  	[sflag:s16] =	ssyncset.done $0x0  }
0x14: {  	[sflag:s16] =	ssyncadd.s32 $0xFFFFC000  }
0x15: {  	[tilespmem:s17], [sflag:$0x1] =	stream.linear.gather [hbm4b:s1+s5], $0x4000, $0x38;
	[tilespmem:$0xA880] =	vst v63  }
0x16: {  	_ =	swait.ge [sflag:s16], $0x4000  }
0x17: {  	[sflag:s16] =	ssyncset.done $0x0  }
0x18: {  	[sflag:s16] =	ssyncadd.s32 $0xFFFFC000  }
0x19: {  	[spmem:s7] =	stream.linear.scatter [tilespmem:s15], [sflag:$0x1], $0x4000, $0x38;
	[tilespmem:$0xA880] =	vst v63  }
0x1a: {  	_ =	swait.ge [sflag:s16], $0x4000  }
0x1b: {  	[sflag:s16] =	ssyncset.done $0x0  }
0x1c: {  	[sflag:s16] =	ssyncadd.s32 $0xFFFFC000  }
0x1d: {  	[spmem:s11] =	stream.linear.scatter [tilespmem:s15], [sflag:$0x1], $0x4000, $0x38;
	[tilespmem:$0xA880] =	vst v63  }
0x1e: {  	_ =	swait.ge [sflag:s16], $0x4000  }
0x1f: {  	[sflag:s16] =	ssyncset.done $0x0  }
0x20: {  	[sflag:s16] =	ssyncadd.s32 $0xFFFFC000  }
0x21: {  	[spmem:s12] =	stream.linear.scatter [tilespmem:s15], [sflag:$0x1], $0x4000, $0x38;
	[tilespmem:$0xA880] =	vst v63  }
0x22: {  	_ =	swait.ge [sflag:s16], $0x4000  }
0x23: {  	[sflag:s16] =	ssyncset.done $0x0  }
0x24: {  	[sflag:s16] =	ssyncadd.s32 $0xFFFFC000  }
0x25: {  	[spmem:s13] =	stream.linear.scatter [tilespmem:s15], [sflag:$0x1], $0x4000, $0x38;
	[tilespmem:$0xA880] =	vst v63  }
0x26: {  	_ =	swait.ge [sflag:s16], $0x4000  }
0x27: {  	[sflag:s16] =	ssyncset.done $0x0  }
0x28: {  	s23 =	sand.u32 $0x3C00, s5;
	[sflag:s16] =	ssyncadd.s32 $0xFFFFC000  }
0x29: {  	[spmem:s14] =	stream.linear.scatter [tilespmem:s15], [sflag:$0x1], $0x4000, $0x38;
	[tilespmem:$0xA880] =	vst v63  }
0x2a: {  	s24 =	sand.u32 $0x380, s5;
	s23 =	sadd.s32 s23, s8;
	_ =	swait.ge [sflag:s16], $0x4000  }
0x2b: {  	s23 =	sor.u32 s24, s23;
	[sflag:s16] =	ssyncset.done $0x0  }
0x2c: {  	s23 =	sshrl.u32 s23, $0x3;
	[sflag:s16] =	ssyncadd.s32 $0xFFFFC000  }
0x2d: {  	s23 =	sadd.s32 s6, s23;
	[bflag:$0x0] =	sbarrier.arrive $0xFFFF  }
0x2e: {  	[tilespmem:s18], [sflag:$0x1] =	stream.linear.gather [hbm4b:s23+s5], $0x80, $0x38;
	[tilespmem:$0xA880] =	vst v63  }
0x2f: {  	_ =	swait.ge [sflag:s16], $0x80  }
0x30: {  	s30 =	simm.s32 $0x80;
	[sflag:s16] =	ssyncset.done $0x0  }
0x31: {  	s31 =	sand.u32 $0x3C00, s30;
	[sflag:s16] =	ssyncadd.s32 $0xFFFFFF80  }
0x32: {  	[spmem:s3] =	stream.indirect.scatter.add.f32 [tilespmem:s17], [sflag:$0x1], $0x10, s18, s19, $0xb8;
	[tilespmem:$0xA880] =	vst v63  }
0x33: {  	s25 =	sand.u32 $0x380, s30;
	s24 =	sadd.s32 s31, s8;
	_ =	swait.ge [sflag:s16], $0x800  }
0x34: {  	s24 =	sor.u32 s25, s24;
	s23 =	simm.s32 $0x100;
	[sflag:s16] =	ssyncset.done $0x0  }
.LBB2_2:
0x35: {  	s24 =	sshrl.u32 s24, $0x3  }
0x36: {  	[sflag:s16] =	ssyncadd.s32 $0xFFFFF800;
	s25 =	smov.u32 s23;
	s26 =	sadd.s32 $0x80, s23  }
0x37: {  	p0 =	sne.s32 s23, $0x2780;
	s23 =	sadd.s32 s6, s24  }
0x38: {  	[tilespmem:s18], [sflag:$0x1] =	stream.linear.gather [hbm4b:s23+s5], $0x80, $0x38;
	[tilespmem:$0xA880] =	vst v63  }
0x39: {  	_ =	swait.ge [sflag:s16], $0x80  }
.Ltmp0:
0x3a: {  	[sflag:s16] =	ssyncset.done $0x0;
	(pc) =	sbr.rel @p0 .LBB2_2-.Ltmp0, $4  }
0x3b: {  	s23 =	sand.u32 $0x3C00, s25;
	[sflag:s16] =	ssyncadd.s32 $0xFFFFFF80  }
0x3c: {  	[spmem:s3] =	stream.indirect.scatter.add.f32 [tilespmem:s17], [sflag:$0x1], $0x10, s18, s19, $0xb8;
	[tilespmem:$0xA880] =	vst v63  }
0x3d: {  	s24 =	sand.u32 $0x380, s25;
	s23 =	sadd.s32 s23, s8;
	_ =	swait.ge [sflag:s16], $0x800  }
0x3e: {  	s24 =	sor.u32 s24, s23;
	s23 =	smov.u32 s26;
	[sflag:s16] =	ssyncset.done $0x0  }
0x3f: {  	s23 =	sshrl.u32 s24, $0x3  }
0x40: {  	[sflag:s16] =	ssyncadd.s32 $0xFFFFF800;
	s23 =	sadd.s32 s6, s23  }
0x41: {  	[tilespmem:s18], [sflag:$0x1] =	stream.linear.gather [hbm4b:s23+s5], $0x80, $0x38;
	[tilespmem:$0xA880] =	vst v63  }
0x42: {  	_ =	swait.ge [sflag:s16], $0x80  }
0x43: {  	[sflag:s16] =	ssyncset.done $0x0  }
0x44: {  	[sflag:s16] =	ssyncadd.s32 $0xFFFFFF80  }
0x45: {  	[spmem:s3] =	stream.indirect.scatter.add.f32 [tilespmem:s17], [sflag:$0x1], $0x10, s18, s19, $0xb8;
	[tilespmem:$0xA880] =	vst v63  }
0x46: {  	_ =	swait.ge [sflag:s16], $0x800  }
0x47: {  	s22 =	sadd.s32 $0x1, s22;
	[sflag:s16] =	ssyncset.done $0x0  }
0x48: {  	p0 =	sne.s32 s22, s10;
	[sflag:s16] =	ssyncadd.s32 $0xFFFFF800  }
.Ltmp1:
0x49: {  	[bflag:$0x0] =	sbarrier.arrive $0xFFFF;
	(pc) =	sbr.rel @p0 .LBB2_1-.Ltmp1, $4  }
0x4a: {  	[hbm:s9], [sflag:s20] =	dma.local [spmem:s21], $0x2800  }
0x4b: {  	_ =	swait.ge [sflag:s16], $0x2800  }
0x4c: {  	[sflag:s16] =	ssyncset.done $0x0  }
0x4d: {  	[sflag:s16] =	ssyncadd.s32 $0xFFFFD800  }
0x4e: {  	_ =	sfence.sel $0x180000  }
0x4f: {  	[bflag:$0x0] =	sbarrier.arrive $0xFFFF  }
0x50: {  	p0 =	sne.s32 s4, $0x0;
	_ =	strace $0x90000047  }
0x51: {  	s0 =	sadd.s32 @!p0 $0x100000, s0;
	[bflag:$0x2] =	sbarrier.arrive $0xFFFF  }
0x52: {  	[sflag:s0] =	ssyncadd.tile.s32 @!p0 $0x1;
	_ =	shalt  }
.Lfunc_end2:
_tile_overlayer_lowered:
.L_overlay_start_2:
0x53: {  	(tag) =	ssettag $0x2  }
0x54: {  	s0 =	rddreg [dreg:$0x0];
	s2 =	stileid.u32  }
0x55: {  	s1 =	rddreg [dreg:$0x1];
	p0 =	sne.s32 s2, $0x0  }
0x56: {  	s3 =	rddreg [dreg:$0x2];
	[bflag:$0x3] =	sbarrier.arrive $0xFFFF;
	s2 =	simm.s32 @!p0 $0x1C01  }
0x57: {  	[timem:s3], [sflag:s2] =	dma.local @!p0 [hbm:s0], s1  }
0x58: {  	s0 =	simm.s32 @!p0 $0x1  }
0x59: {  	_ =	swait.ge @!p0 [sflag:s0], s1  }
0x5a: {  	s1 =	ssub.s32 @!p0 $0x0, s1;
	[sflag:s0] =	ssyncset.done @!p0 $0x0  }
0x5b: {  	[sflag:s0] =	ssyncadd.s32 @!p0 s1  }
0x5c: {  	[bflag:$0x3] =	sbarrier.arrive $0xFFFF  }
0x5d: {  	_ =	shalt  }

// kernel: kernel.14.cloned.1.call-start
scs
__scs_entry_jumppad:
0x0: {  	(pc) =	sbr.rel $0x88, $3  }
0x1: {  	(tag) =	ssettag $0x0;
	lr =	simm.s32 $0x1  }
0x2: {  	[smem:$0x3F98] =	sst lr;
	_ =	strace $0xD0000000  }
0x3: {  	_ = 	snop  }
0x4: {  	_ = 	snop  }
0x5: {  	_ = 	snop  }
0x6: {  	_ = 	snop  }
0x7: {  	_ = 	snop  }
__scs_overlays_trampoline_lowered:
0x8: {  	[smem:$0x3FA7] =	sst s0  }
0x9: {  	[smem:$0x3FA8] =	sst s1  }
0xa: {  	[smem:$0x3FA9] =	sst s2  }
0xb: {  	[smem:$0x3FAA] =	sst s3  }
0xc: {  	[smem:$0x3FAB] =	sst s4  }
0xd: {  	[smem:$0x3FAC] =	sst s5  }
0xe: {  	[smem:$0x3FAD] =	sst s6  }
0xf: {  	[smem:$0x3FAE] =	sst s7  }
0x10: {  	[smem:$0x3FAF] =	sst s8  }
0x11: {  	[smem:$0x3FB0] =	sst s9;
	s0 =	simm.s32 @!p0 $0x0  }
0x12: {  	s1 =	sld [smem:$0x3F96];
	s0 =	simm.s32 @p0 $0x1  }
0x13: {  	[smem:$0x3FB1] =	sst s0;
	s0 =	simm.s32 @!p1 $0x0  }
0x14: {  	s2 =	sld [smem:$0x3F95];
	s0 =	simm.s32 @p1 $0x1  }
0x15: {  	[smem:$0x3FB2] =	sst s0;
	s0 =	simm.s32 @!p2 $0x0  }
0x16: {  	s3 =	sld [smem:$0x3FDB];
	s0 =	simm.s32 @p2 $0x1  }
0x17: {  	s4 =	simm.s32 $0x1BF5;
	[smem:$0x3FB4] =	sst s0  }
0x18: {  	s0 =	sld [smem:$0x3F97];
	_ =	swait.ge [sflag:s4], $0x0  }
0x19: {  	s7 =	sld [smem:$0x3F98]  }
0x1a: {  	s8 =	sadd.s32 $0xFFFFE003, lr  }
0x1b: {  	s9 =	sadd.s32 $0xFFFFFEF7, lr;
	s5 =	simm.s32 $0xFFFFFFFF;
	p2 =	slt.u32 s8, $0xFFFFF086  }
0x1c: {  	p1 =	slt.u32 s9, $0xF7A;
	s5 =	simm.s32 @!p2 $0x0  }
0x1d: {  	s5 =	simm.s32 @p1 $0x1;
	p0 =	seq.s32 s7, s2  }
0x1e: {  	s7 =	smul.u32 @!p0 $0xF7A, s2;
	p2 =	seq.s32 @!p0 s5, $0x0  }
0x1f: {  	s9 =	smul.u32 $0xF7A, s1;
	s8 =	simm.s32 @!p0 $0x1BF5;
	p2 =	por !p2, p0  }
0x20: {  	[sflag:s8] =	ssyncset.s32 @!p0 $0xFFFFF086;
	s6 =	sadd.s32 @!p0 s3, s7;
	s7 =	simm.s32 @!p0 $0x108  }
0x21: {  	s3 =	sadd.s32 s3, s9;
	s6 =	sadd.s32 @!p0 $0x88, s6;
	s7 =	simm.s32 @p2 $0x1082  }
0x22: {  	[simem:s7], [sflag:s8] =	dma.local @!p0 [hbm:s6], $0xF7A  }
0x23: {  	s9 =	sor.u32 $0xD0000000, s2;
	s6 =	simm.s32 $0x108;
	_ =	swait.ge @!p0 [sflag:s8], $0x0  }
0x24: {  	s3 =	sadd.s32 $0x88, s3;
	s6 =	simm.s32 @!p1 $0x1082;
	[sflag:s4] =	ssyncset.s32 $0xFFFFF086  }
0x25: {  	[simem:s6], [sflag:s4] =	dma.local [hbm:s3], $0xF7A  }
0x26: {  	[smem:$0x3F98] =	sst s1;
	(tag) =	ssettag s2;
	_ =	strace s9  }
0x27: {  	s1 =	sld [smem:$0x3FA8]  }
0x28: {  	s2 =	sld [smem:$0x3FA9]  }
0x29: {  	s4 =	sld [smem:$0x3FAB]  }
0x2a: {  	p0 =	seq.s32 s5, $0x0;
	s5 =	sld [smem:$0x3FAC]  }
0x2b: {  	s6 =	sld [smem:$0x3FAD]  }
0x2c: {  	s7 =	sld [smem:$0x3FAE]  }
0x2d: {  	s3 =	simm.s32 $0x108;
	s8 =	sld [smem:$0x3FAF]  }
0x2e: {  	s3 =	simm.s32 @!p0 $0x1082;
	s9 =	sld [smem:$0x3FB0]  }
0x2f: {  	lr =	sadd.s32 s0, s3;
	s0 =	sld [smem:$0x3FA7]  }
0x30: {  	s3 =	sld [smem:$0x3FAA]  }
0x31: {  	[smem:$0x3FB3] =	sst s10  }
0x32: {  	s10 =	sld [smem:$0x3FB1];
	_ =	sdelay $0x3  }
0x33: {  	p0 =	seq.s32 s10, $0x1;
	s10 =	sld [smem:$0x3FB3];
	_ =	sdelay $0x3  }
0x34: {  	[smem:$0x3FB3] =	sst s10  }
0x35: {  	s10 =	sld [smem:$0x3FB2];
	_ =	sdelay $0x3  }
0x36: {  	p1 =	seq.s32 s10, $0x1;
	s10 =	sld [smem:$0x3FB3];
	_ =	sdelay $0x3  }
0x37: {  	[smem:$0x3FB3] =	sst s10  }
0x38: {  	s10 =	sld [smem:$0x3FB4]  }
0x39: {  	_ = 	snop;
	(pc) =	sbr.ind lr, $3  }
0x3a: {  	_ = 	snop  }
0x3b: {  	_ = 	snop  }
0x3c: {  	p2 =	seq.s32 s10, $0x1;
	s10 =	sld [smem:$0x3FB3]  }
0x3d: {  	_ =	shalt  }
0x3e: {  	_ =	shalt  }
0x3f: {  	_ =	shalt  }
0x40: {  	_ =	shalt  }
0x41: {  	_ =	shalt  }
0x42: {  	_ =	shalt  }
0x43: {  	_ =	shalt  }
0x44: {  	_ =	shalt  }
0x45: {  	_ =	shalt  }
0x46: {  	_ =	shalt  }
0x47: {  	_ =	shalt  }
0x48: {  	_ =	shalt  }
0x49: {  	_ =	shalt  }
0x4a: {  	_ =	shalt  }
0x4b: {  	_ =	shalt  }
0x4c: {  	_ =	shalt  }
0x4d: {  	_ =	shalt  }
0x4e: {  	_ =	shalt  }
0x4f: {  	_ =	shalt  }
0x50: {  	_ =	shalt  }
0x51: {  	_ =	shalt  }
0x52: {  	_ =	shalt  }
0x53: {  	_ =	shalt  }
0x54: {  	_ =	shalt  }
0x55: {  	_ =	shalt  }
0x56: {  	_ =	shalt  }
0x57: {  	_ =	shalt  }
0x58: {  	_ =	shalt  }
0x59: {  	_ =	shalt  }
0x5a: {  	_ =	shalt  }
0x5b: {  	_ =	shalt  }
0x5c: {  	_ =	shalt  }
0x5d: {  	_ =	shalt  }
0x5e: {  	_ =	shalt  }
0x5f: {  	_ =	shalt  }
0x60: {  	_ =	shalt  }
0x61: {  	_ =	shalt  }
0x62: {  	_ =	shalt  }
0x63: {  	_ =	shalt  }
0x64: {  	_ =	shalt  }
0x65: {  	_ =	shalt  }
0x66: {  	_ =	shalt  }
0x67: {  	_ =	shalt  }
0x68: {  	_ =	shalt  }
0x69: {  	_ =	shalt  }
0x6a: {  	_ =	shalt  }
0x6b: {  	_ =	shalt  }
0x6c: {  	_ =	shalt  }
0x6d: {  	_ =	shalt  }
0x6e: {  	_ =	shalt  }
0x6f: {  	_ =	shalt  }
0x70: {  	_ =	shalt  }
0x71: {  	_ =	shalt  }
0x72: {  	_ =	shalt  }
0x73: {  	_ =	shalt  }
0x74: {  	_ =	shalt  }
0x75: {  	_ =	shalt  }
0x76: {  	_ =	shalt  }
0x77: {  	_ =	shalt  }
0x78: {  	_ =	shalt  }
0x79: {  	_ =	shalt  }
0x7a: {  	_ =	shalt  }
0x7b: {  	_ =	shalt  }
0x7c: {  	_ =	shalt  }
0x7d: {  	_ =	shalt  }
0x7e: {  	_ =	shalt  }
0x7f: {  	_ =	shalt  }
0x80: {  	_ =	shalt  }
0x81: {  	_ =	shalt  }
0x82: {  	_ =	shalt  }
0x83: {  	_ =	shalt  }
0x84: {  	_ =	shalt  }
0x85: {  	_ =	shalt  }
0x86: {  	_ =	shalt  }
0x87: {  	_ =	shalt  }
.Lfunc_end0:
.L_simem_size_0:
called_computation.1_lowered:
.L_overlay_start_0:
0x88: {  	s2 =	sld [smem:$0x3FD9]  }
0x89: {  	s3 =	sld [smem:$0x3FFE];
	_ =	sdelay $0x1  }
0x8a: {  	s1 =	srdreg.scid  }
0x8b: {  	s0 =	sand.u32 $0x1, s1  }
0x8c: {  	s14 =	sshll.u32 s0, $0xA;
	s2 =	sadd.s32 s3, s2  }
0x8d: {  	s2 =	sadd.s32 s2, s14  }
0x8e: {  	[smem:$0x3FBF] =	sst s2  }
0x8f: {  	_ = 	snop  }
0x90: {  	s2 =	sld [smem:$0x3FD0];
	_ =	sdelay $0x2  }
0x91: {  	s15 =	simm.s32 $0xA;
	s4 =	simm.s32 $0x10  }
0x92: {  	[smem:s4], [sflag:s15] =	dma.local [hbm:s2], $0x1  }
0x93: {  	_ =	swait.eq [sflag:s15], $0x1  }
0x94: {  	[sflag:s15] =	ssyncset.done $0x0  }
0x95: {  	[sflag:s15] =	ssyncadd.s32 $0xFFFFFFFF  }
0x96: {  	s16 =	sld [smem:$0x11];
	(tm) =	ssettm $0x1  }
0x97: {  	s17 =	sld [smem:$0x3FFB];
	_ =	sdelay $0x3  }
0x98: {  	_ =	strace s17  }
0x99: {  	s3 =	sld [smem:$0x3FFC];
	_ =	sdelay $0x3  }
0x9a: {  	_ =	strace s3  }
0x9b: {  	s3 =	sld [smem:$0x3FFD];
	_ =	sdelay $0x3  }
0x9c: {  	_ =	strace s3  }
0x9d: {  	_ =	strace $0x8FFFFFFF  }
0x9e: {  	s18 =	sld [smem:$0x3FDB];
	_ =	sdelay $0x1  }
0x9f: {  	s19 =	simm.s32 $_scs_section_size  }
0xa0: {  	s5 =	simm.s32 $_size__tile_overlayer_lowered;
	s6 =	simm.s32 $_tile_overlayer_lowered  }
0xa1: {  	s22 =	simm.s32 $0x1BFF;
	s21 =	sshll.u32 s6, $0x1;
	s3 =	sadd.s32 s19, s18  }
0xa2: {  	s7 =	simm.s32 $0x0;
	s20 =	sshll.u32 s5, $0x1;
	s5 =	sadd.s32 s21, s3  }
0xa3: {  	[timem:s7], [sflag:s22] =	dma.local [hbm:s5], s20  }
0xa4: {  	_ =	swait.ge [sflag:s22], s20  }
0xa5: {  	s4 =	ssub.s32 $0x0, s20;
	[sflag:s22] =	ssyncset.done $0x0  }
0xa6: {  	[sflag:s22] =	ssyncadd.s32 s4;
	_ =	sdelay $0x1  }
0xa7: {  	s23 =	simm.s32 $0x1B8B  }
0xa8: {  	_ =	swait.ge [sflag:s23], $0x1  }
0xa9: {  	[sflag:s23] =	ssyncset.done $0x0  }
0xaa: {  	s25 =	simm.s32 $0x1B8E;
	s24 =	sld [smem:$0x3FFE];
	[sflag:s23] =	ssyncadd.s32 $0xFFFFFFFF  }
0xab: {  	s26 =	simm.s32 $execute0_lowered;
	[smem:$0x3FD2] =	sst s25  }
0xac: {  	s5 =	sshll.u32 s26, $0x1;
	_ =	strace $0x80000049;
	[dreg:$0x1] =	wrdreg $0xFFFFFFFF  }
0xad: {  	s28 =	simm.s32 $_size_execute0_lowered;
	s3 =	sadd.s32 s3, s5;
	[dreg:$0x0] =	wrdreg $0x0  }
0xae: {  	s5 =	sshll.u32 s28, $0x1;
	[dreg:$0x2] =	wrdreg s3  }
0xaf: {  	[dreg:$0x3] =	wrdreg s5  }
0xb0: {  	[dreg:$0x4] =	wrdreg $0xC0  }
0xb1: {  	_ =	task [dreg:s7], $0x5FFFF  }
0xb2: {  	[dreg:$0x1] =	wrdreg $0xFFFFFFFF  }
0xb3: {  	[dreg:$0x0] =	wrdreg $0x60  }
0xb4: {  	[dreg:$0x2] =	wrdreg s24  }
0xb5: {  	[dreg:$0x3] =	wrdreg s16  }
0xb6: {  	[dreg:$0x4] =	wrdreg $0x0  }
0xb7: {  	[dreg:$0x5] =	wrdreg $0x9  }
0xb8: {  	_ =	task.clear_ibuf [dreg:s7], $0x6FFFF;
	_ =	strace $0x90000049  }
0xb9: {  	s29 =	simm.s32 $0x9;
	_ =	strace $0x8000004B  }
0xba: {  	_ =	swait.ge [sflag:s29], $0x1  }
0xbb: {  	[sflag:s29] =	ssyncadd.s32 $0xFFFFFFFF  }
0xbc: {  	_ =	strace $0x9000004B  }
0xbd: {  	_ =	sfence  }
0xbe: {  	s30 =	sld [smem:$0x0];
	_ =	sdelay $0x2  }
0xbf: {  	s31 =	sshll.u32 s1, $0xD;
	s1 =	sshrl.u32 s1, $0x2  }
0xc0: {  	s3 =	sand.u32 $0x4000, s31;
	s1 =	sadd.s32 s1, s30  }
0xc1: {  	s0 =	sor.u32 s3, s0;
	s1 =	sshll.u32 s1, $0x11  }
0xc2: {  	s0 =	sor.u32 s1, s0  }
0xc3: {  	s0 =	sadd.s32 $0x8F2B, s0  }
0xc4: {  	[sflag:s0] =	ssyncadd.remote.s32 $0x1  }
0xc5: {  	_ =	sfence.sel $0xFFFF  }
0xc6: {  	[dreg:$0x0] =	wrdreg $0xFFFFFFFF;
	(pc) =	sbr.abs _section_cstart, $3  }
0xc7: {  	[dreg:$0x1] =	wrdreg $0xFFFFFFFF  }
0xc8: {  	_ =	task.clear_ibuf [dreg:s7], $0x2FFFF;
	_ =	strace $0x9FFFFFFF  }
0xc9: {  	(tm) =	ssettm $0x7FFFFFFF  }
tec
execute0_lowered:
.L_overlay_start_1:
0x0: {  	(tag) =	ssettag $0x1  }
0x1: {  	s8 =	rddreg [dreg:$0x0]  }
0x2: {  	s1 =	rddreg [dreg:$0x1]  }
0x3: {  	s2 =	rddreg [dreg:$0x2]  }
0x4: {  	s3 =	srdreg.scid;
	s0 =	rddreg [dreg:$0x3]  }
0x5: {  	s4 =	simm.s32 $0x0;
	s16 =	simm.s32 $0x18100;
	s17 =	simm.s32 $0x2  }
0x6: {  	s18 =	simm.s32 $0x14000;
	s19 =	simm.s32 $0x14080;
	s20 =	simm.s32 $0x80  }
0x7: {  	s21 =	simm.s32 $0x14100;
	s22 =	simm.s32 $0x1;
	s9 =	sand.u32 $0x1, s3  }
0x8: {  	s25 =	simm.s32 $0x0;
	s3 =	stileid.u32;
	s10 =	smul.u32 $0x140000, s9  }
0x9: {  	[smem:$0x7FF] =	sst s4;
	s5 =	sadd.s32 $0x17800, s8;
	s11 =	smul.u32 $0x14000, s3  }
0xa: {  	s6 =	sadd.s32 $0xD800, s8;
	s7 =	sadd.s32 $0x3800, s8;
	s31 =	smul.u32 $0x50000, s3  }
0xb: {  	_ =	strace $0x8000004A;
	s12 =	ssub.s32 $0x2, s9;
	s9 =	smul.u32 $0x28000, s9  }
0xc: {  	s14 =	smul.u32 $0x2800, s3;
	s23 =	sshll.u32 s3, $0x6;
	s13 =	sshrl.u32 s12, $0x1  }
0xd: {  	s23 =	sor.u32 $0x1C02, s23;
	s10 =	sadd.s32 s11, s10;
	s11 =	sshrl.u32 s31, $0x2  }
0xe: {  	s12 =	ssub.s32 s12, s13;
	s9 =	sadd.s32 s14, s9;
	s10 =	sshrl.u32 s10, $0x3  }
0xf: {  	s10 =	sadd.s32 s10, s8;
	s8 =	sadd.s32 s11, s2;
	s11 =	smax.u32 s12, $0x1  }
0x10: {  	s10 =	sadd.s32 $0x3EA00, s10;
	s12 =	sadd.s32 $0x4000, s8;
	s13 =	sadd.s32 $0x8000, s8  }
0x11: {  	s14 =	sadd.s32 $0xC000, s8;
	s15 =	sadd.s32 $0x10000, s8;
	s24 =	sshrl.u32 s8, $0x3  }
.LBB2_1:
0x12: {  	[tilespmem:s16], [sflag:$0x2] =	stream.linear.gather [hbm4b:s1+s4], $0x4000, $0x38;
	[tilespmem:$0x1C100] =	vst v63  }
0x13: {  	_ =	swait.ge [sflag:s17], $0x4000  }
0x14: {  	[sflag:s17] =	ssyncset.done $0x0  }
0x15: {  	[sflag:s17] =	ssyncadd.s32 $0xFFFFC000  }
0x16: {  	[spmem:s8] =	stream.linear.scatter [tilespmem:s16], [sflag:$0x2], $0x4000, $0x38;
	[tilespmem:$0x1C100] =	vst v63  }
0x17: {  	_ =	swait.ge [sflag:s17], $0x4000  }
0x18: {  	[sflag:s17] =	ssyncset.done $0x0  }
0x19: {  	[sflag:s17] =	ssyncadd.s32 $0xFFFFC000  }
0x1a: {  	[spmem:s12] =	stream.linear.scatter [tilespmem:s16], [sflag:$0x2], $0x4000, $0x38;
	[tilespmem:$0x1C100] =	vst v63  }
0x1b: {  	_ =	swait.ge [sflag:s17], $0x4000  }
0x1c: {  	[sflag:s17] =	ssyncset.done $0x0  }
0x1d: {  	[sflag:s17] =	ssyncadd.s32 $0xFFFFC000  }
0x1e: {  	[spmem:s13] =	stream.linear.scatter [tilespmem:s16], [sflag:$0x2], $0x4000, $0x38;
	[tilespmem:$0x1C100] =	vst v63  }
0x1f: {  	_ =	swait.ge [sflag:s17], $0x4000  }
0x20: {  	[sflag:s17] =	ssyncset.done $0x0  }
0x21: {  	[sflag:s17] =	ssyncadd.s32 $0xFFFFC000  }
0x22: {  	[spmem:s14] =	stream.linear.scatter [tilespmem:s16], [sflag:$0x2], $0x4000, $0x38;
	[tilespmem:$0x1C100] =	vst v63  }
0x23: {  	_ =	swait.ge [sflag:s17], $0x4000  }
0x24: {  	[sflag:s17] =	ssyncset.done $0x0  }
0x25: {  	s26 =	sand.u32 $0x3C00, s4;
	[sflag:s17] =	ssyncadd.s32 $0xFFFFC000  }
0x26: {  	[spmem:s15] =	stream.linear.scatter [tilespmem:s16], [sflag:$0x2], $0x4000, $0x38;
	[tilespmem:$0x1C100] =	vst v63  }
0x27: {  	s28 =	sand.u32 $0x380, s4;
	s26 =	sadd.s32 s26, s9;
	_ =	swait.ge [sflag:s17], $0x4000  }
0x28: {  	s26 =	sor.u32 s28, s26;
	[sflag:s17] =	ssyncset.done $0x0  }
0x29: {  	s26 =	sshrl.u32 s26, $0x3;
	[sflag:s17] =	ssyncadd.s32 $0xFFFFC000  }
0x2a: {  	s28 =	sadd.s32 s6, s26;
	[bflag:$0x0] =	sbarrier.arrive $0xFFFF  }
0x2b: {  	[tilespmem:s18], [sflag:$0x2] =	stream.linear.gather [hbm4b:s28+s4], $0x80, $0x38;
	[tilespmem:$0x1C100] =	vst v63  }
0x2c: {  	_ =	swait.ge [sflag:s17], $0x80  }
0x2d: {  	[sflag:s17] =	ssyncset.done $0x0  }
0x2e: {  	s26 =	sadd.s32 s7, s26;
	[sflag:s17] =	ssyncadd.s32 $0xFFFFFF80  }
0x2f: {  	[tilespmem:s19], [sflag:$0x2] =	stream.linear.gather [hbm4b:s26+s4], $0x80, $0x38;
	[tilespmem:$0x1C100] =	vst v63  }
0x30: {  	_ =	swait.ge [sflag:s17], $0x80  }
0x31: {  	[sflag:s17] =	ssyncset.done $0x0  }
0x32: {  	[sflag:s17] =	ssyncadd.s32 $0xFFFFFF80  }
0x33: {  	[tilespmem:s21], [sflag:$0x1] =	stream.indirect.gather [hbm4b:s5+s20], $0x80, s18, s20, $0xb8;
	[tilespmem:$0x1C100] =	vst v63  }
0x34: {  	_ =	swait.ge [sflag:s22], $0x4000  }
0x35: {  	s31 =	simm.s32 $0x80;
	[sflag:s22] =	ssyncset.done $0x0  }
0x36: {  	s28 =	sand.u32 $0x3C00, s31;
	[sflag:s22] =	ssyncadd.s32 $0xFFFFC000  }
0x37: {  	[spmem:s2] =	stream.indirect.scatter.add.f32 [tilespmem:s21], [sflag:$0x2], $0x80, s19, s20, $0xb8;
	[tilespmem:$0x1C100] =	vst v63  }
0x38: {  	s29 =	sand.u32 $0x380, s31;
	s28 =	sadd.s32 s28, s9;
	_ =	swait.ge [sflag:s17], $0x4000  }
0x39: {  	s28 =	sor.u32 s29, s28;
	s26 =	simm.s32 $0x100;
	[sflag:s17] =	ssyncset.done $0x0  }
.LBB2_2:
0x3a: {  	s28 =	sshrl.u32 s28, $0x3  }
0x3b: {  	[sflag:s17] =	ssyncadd.s32 $0xFFFFC000;
	s29 =	smov.u32 s26;
	s30 =	sadd.s32 $0x80, s26  }
0x3c: {  	p0 =	sne.s32 s26, $0x2780;
	s26 =	sadd.s32 s6, s28  }
0x3d: {  	[tilespmem:s18], [sflag:$0x2] =	stream.linear.gather [hbm4b:s26+s4], $0x80, $0x38;
	[tilespmem:$0x1C100] =	vst v63  }
0x3e: {  	_ =	swait.ge [sflag:s17], $0x80  }
0x3f: {  	[sflag:s17] =	ssyncset.done $0x0  }
0x40: {  	s26 =	sadd.s32 s7, s28;
	[sflag:s17] =	ssyncadd.s32 $0xFFFFFF80  }
0x41: {  	[tilespmem:s19], [sflag:$0x2] =	stream.linear.gather [hbm4b:s26+s4], $0x80, $0x38;
	[tilespmem:$0x1C100] =	vst v63  }
0x42: {  	_ =	swait.ge [sflag:s17], $0x80  }
0x43: {  	[sflag:s17] =	ssyncset.done $0x0  }
0x44: {  	[sflag:s17] =	ssyncadd.s32 $0xFFFFFF80  }
0x45: {  	[tilespmem:s21], [sflag:$0x1] =	stream.indirect.gather [hbm4b:s5+s20], $0x80, s18, s20, $0xb8;
	[tilespmem:$0x1C100] =	vst v63  }
0x46: {  	_ =	swait.ge [sflag:s22], $0x4000  }
.Ltmp0:
0x47: {  	[sflag:s22] =	ssyncset.done $0x0;
	(pc) =	sbr.rel @p0 .LBB2_2-.Ltmp0, $4  }
0x48: {  	s26 =	sand.u32 $0x3C00, s29;
	[sflag:s22] =	ssyncadd.s32 $0xFFFFC000  }
0x49: {  	[spmem:s2] =	stream.indirect.scatter.add.f32 [tilespmem:s21], [sflag:$0x2], $0x80, s19, s20, $0xb8;
	[tilespmem:$0x1C100] =	vst v63  }
0x4a: {  	s28 =	sand.u32 $0x380, s29;
	s26 =	sadd.s32 s26, s9;
	_ =	swait.ge [sflag:s17], $0x4000  }
0x4b: {  	s28 =	sor.u32 s28, s26;
	s26 =	smov.u32 s30;
	[sflag:s17] =	ssyncset.done $0x0  }
0x4c: {  	s26 =	sshrl.u32 s28, $0x3  }
0x4d: {  	[sflag:s17] =	ssyncadd.s32 $0xFFFFC000;
	s28 =	sadd.s32 s6, s26  }
0x4e: {  	[tilespmem:s18], [sflag:$0x2] =	stream.linear.gather [hbm4b:s28+s4], $0x80, $0x38;
	[tilespmem:$0x1C100] =	vst v63  }
0x4f: {  	_ =	swait.ge [sflag:s17], $0x80  }
0x50: {  	[sflag:s17] =	ssyncset.done $0x0  }
0x51: {  	s26 =	sadd.s32 s7, s26;
	[sflag:s17] =	ssyncadd.s32 $0xFFFFFF80  }
0x52: {  	[tilespmem:s19], [sflag:$0x2] =	stream.linear.gather [hbm4b:s26+s4], $0x80, $0x38;
	[tilespmem:$0x1C100] =	vst v63  }
0x53: {  	_ =	swait.ge [sflag:s17], $0x80  }
0x54: {  	[sflag:s17] =	ssyncset.done $0x0  }
0x55: {  	[sflag:s17] =	ssyncadd.s32 $0xFFFFFF80  }
0x56: {  	[tilespmem:s21], [sflag:$0x1] =	stream.indirect.gather [hbm4b:s5+s20], $0x80, s18, s20, $0xb8;
	[tilespmem:$0x1C100] =	vst v63  }
0x57: {  	_ =	swait.ge [sflag:s22], $0x4000  }
0x58: {  	[sflag:s22] =	ssyncset.done $0x0  }
0x59: {  	[sflag:s22] =	ssyncadd.s32 $0xFFFFC000  }
0x5a: {  	[spmem:s2] =	stream.indirect.scatter.add.f32 [tilespmem:s21], [sflag:$0x2], $0x80, s19, s20, $0xb8;
	[tilespmem:$0x1C100] =	vst v63  }
0x5b: {  	_ =	swait.ge [sflag:s17], $0x4000  }
0x5c: {  	s25 =	sadd.s32 $0x1, s25;
	[sflag:s17] =	ssyncset.done $0x0  }
0x5d: {  	p0 =	sne.s32 s25, s11;
	[sflag:s17] =	ssyncadd.s32 $0xFFFFC000  }
.Ltmp1:
0x5e: {  	[bflag:$0x0] =	sbarrier.arrive $0xFFFF;
	(pc) =	sbr.rel @p0 .LBB2_1-.Ltmp1, $4  }
0x5f: {  	[hbm:s10], [sflag:s23] =	dma.local [spmem:s24], $0x2800  }
0x60: {  	_ =	swait.ge [sflag:s17], $0x2800  }
0x61: {  	[sflag:s17] =	ssyncset.done $0x0  }
0x62: {  	[sflag:s17] =	ssyncadd.s32 $0xFFFFD800  }
0x63: {  	_ =	sfence.sel $0x180000  }
0x64: {  	[bflag:$0x0] =	sbarrier.arrive $0xFFFF  }
0x65: {  	p0 =	sne.s32 s3, $0x0;
	_ =	strace $0x9000004A  }
0x66: {  	s0 =	sadd.s32 @!p0 $0x100000, s0;
	[bflag:$0x2] =	sbarrier.arrive $0xFFFF  }
0x67: {  	[sflag:s0] =	ssyncadd.tile.s32 @!p0 $0x1;
	_ =	shalt  }
.Lfunc_end2:
_tile_overlayer_lowered:
.L_overlay_start_2:
0x68: {  	(tag) =	ssettag $0x2  }
0x69: {  	s0 =	rddreg [dreg:$0x0];
	s2 =	stileid.u32  }
0x6a: {  	s1 =	rddreg [dreg:$0x1];
	p0 =	sne.s32 s2, $0x0  }
0x6b: {  	s3 =	rddreg [dreg:$0x2];
	[bflag:$0x3] =	sbarrier.arrive $0xFFFF;
	s2 =	simm.s32 @!p0 $0x1C02  }
0x6c: {  	[timem:s3], [sflag:s2] =	dma.local @!p0 [hbm:s0], s1  }
0x6d: {  	s0 =	simm.s32 @!p0 $0x2  }
0x6e: {  	_ =	swait.ge @!p0 [sflag:s0], s1  }
0x6f: {  	s1 =	ssub.s32 @!p0 $0x0, s1;
	[sflag:s0] =	ssyncset.done @!p0 $0x0  }
0x70: {  	[sflag:s0] =	ssyncadd.s32 @!p0 s1  }
0x71: {  	[bflag:$0x3] =	sbarrier.arrive $0xFFFF  }
0x72: {  	_ =	shalt  }

// kernel: kernel.17.cloned.1.call-start
scs
__scs_entry_jumppad:
0x0: {  	(pc) =	sbr.rel $0x88, $3  }
0x1: {  	(tag) =	ssettag $0x0;
	lr =	simm.s32 $0x1  }
0x2: {  	[smem:$0x3F98] =	sst lr;
	_ =	strace $0xD0000000  }
0x3: {  	_ = 	snop  }
0x4: {  	_ = 	snop  }
0x5: {  	_ = 	snop  }
0x6: {  	_ = 	snop  }
0x7: {  	_ = 	snop  }
__scs_overlays_trampoline_lowered:
0x8: {  	[smem:$0x3FA7] =	sst s0  }
0x9: {  	[smem:$0x3FA8] =	sst s1  }
0xa: {  	[smem:$0x3FA9] =	sst s2  }
0xb: {  	[smem:$0x3FAA] =	sst s3  }
0xc: {  	[smem:$0x3FAB] =	sst s4  }
0xd: {  	[smem:$0x3FAC] =	sst s5  }
0xe: {  	[smem:$0x3FAD] =	sst s6  }
0xf: {  	[smem:$0x3FAE] =	sst s7  }
0x10: {  	[smem:$0x3FAF] =	sst s8  }
0x11: {  	[smem:$0x3FB0] =	sst s9;
	s0 =	simm.s32 @!p0 $0x0  }
0x12: {  	s1 =	sld [smem:$0x3F96];
	s0 =	simm.s32 @p0 $0x1  }
0x13: {  	[smem:$0x3FB1] =	sst s0;
	s0 =	simm.s32 @!p1 $0x0  }
0x14: {  	s2 =	sld [smem:$0x3F95];
	s0 =	simm.s32 @p1 $0x1  }
0x15: {  	[smem:$0x3FB2] =	sst s0;
	s0 =	simm.s32 @!p2 $0x0  }
0x16: {  	s3 =	sld [smem:$0x3FDB];
	s0 =	simm.s32 @p2 $0x1  }
0x17: {  	s4 =	simm.s32 $0x1BF5;
	[smem:$0x3FB4] =	sst s0  }
0x18: {  	s0 =	sld [smem:$0x3F97];
	_ =	swait.ge [sflag:s4], $0x0  }
0x19: {  	s7 =	sld [smem:$0x3F98]  }
0x1a: {  	s8 =	sadd.s32 $0xFFFFE003, lr  }
0x1b: {  	s9 =	sadd.s32 $0xFFFFFEF7, lr;
	s5 =	simm.s32 $0xFFFFFFFF;
	p2 =	slt.u32 s8, $0xFFFFF086  }
0x1c: {  	p1 =	slt.u32 s9, $0xF7A;
	s5 =	simm.s32 @!p2 $0x0  }
0x1d: {  	s5 =	simm.s32 @p1 $0x1;
	p0 =	seq.s32 s7, s2  }
0x1e: {  	s7 =	smul.u32 @!p0 $0xF7A, s2;
	p2 =	seq.s32 @!p0 s5, $0x0  }
0x1f: {  	s9 =	smul.u32 $0xF7A, s1;
	s8 =	simm.s32 @!p0 $0x1BF5;
	p2 =	por !p2, p0  }
0x20: {  	[sflag:s8] =	ssyncset.s32 @!p0 $0xFFFFF086;
	s6 =	sadd.s32 @!p0 s3, s7;
	s7 =	simm.s32 @!p0 $0x108  }
0x21: {  	s3 =	sadd.s32 s3, s9;
	s6 =	sadd.s32 @!p0 $0x88, s6;
	s7 =	simm.s32 @p2 $0x1082  }
0x22: {  	[simem:s7], [sflag:s8] =	dma.local @!p0 [hbm:s6], $0xF7A  }
0x23: {  	s9 =	sor.u32 $0xD0000000, s2;
	s6 =	simm.s32 $0x108;
	_ =	swait.ge @!p0 [sflag:s8], $0x0  }
0x24: {  	s3 =	sadd.s32 $0x88, s3;
	s6 =	simm.s32 @!p1 $0x1082;
	[sflag:s4] =	ssyncset.s32 $0xFFFFF086  }
0x25: {  	[simem:s6], [sflag:s4] =	dma.local [hbm:s3], $0xF7A  }
0x26: {  	[smem:$0x3F98] =	sst s1;
	(tag) =	ssettag s2;
	_ =	strace s9  }
0x27: {  	s1 =	sld [smem:$0x3FA8]  }
0x28: {  	s2 =	sld [smem:$0x3FA9]  }
0x29: {  	s4 =	sld [smem:$0x3FAB]  }
0x2a: {  	p0 =	seq.s32 s5, $0x0;
	s5 =	sld [smem:$0x3FAC]  }
0x2b: {  	s6 =	sld [smem:$0x3FAD]  }
0x2c: {  	s7 =	sld [smem:$0x3FAE]  }
0x2d: {  	s3 =	simm.s32 $0x108;
	s8 =	sld [smem:$0x3FAF]  }
0x2e: {  	s3 =	simm.s32 @!p0 $0x1082;
	s9 =	sld [smem:$0x3FB0]  }
0x2f: {  	lr =	sadd.s32 s0, s3;
	s0 =	sld [smem:$0x3FA7]  }
0x30: {  	s3 =	sld [smem:$0x3FAA]  }
0x31: {  	[smem:$0x3FB3] =	sst s10  }
0x32: {  	s10 =	sld [smem:$0x3FB1];
	_ =	sdelay $0x3  }
0x33: {  	p0 =	seq.s32 s10, $0x1;
	s10 =	sld [smem:$0x3FB3];
	_ =	sdelay $0x3  }
0x34: {  	[smem:$0x3FB3] =	sst s10  }
0x35: {  	s10 =	sld [smem:$0x3FB2];
	_ =	sdelay $0x3  }
0x36: {  	p1 =	seq.s32 s10, $0x1;
	s10 =	sld [smem:$0x3FB3];
	_ =	sdelay $0x3  }
0x37: {  	[smem:$0x3FB3] =	sst s10  }
0x38: {  	s10 =	sld [smem:$0x3FB4]  }
0x39: {  	_ = 	snop;
	(pc) =	sbr.ind lr, $3  }
0x3a: {  	_ = 	snop  }
0x3b: {  	_ = 	snop  }
0x3c: {  	p2 =	seq.s32 s10, $0x1;
	s10 =	sld [smem:$0x3FB3]  }
0x3d: {  	_ =	shalt  }
0x3e: {  	_ =	shalt  }
0x3f: {  	_ =	shalt  }
0x40: {  	_ =	shalt  }
0x41: {  	_ =	shalt  }
0x42: {  	_ =	shalt  }
0x43: {  	_ =	shalt  }
0x44: {  	_ =	shalt  }
0x45: {  	_ =	shalt  }
0x46: {  	_ =	shalt  }
0x47: {  	_ =	shalt  }
0x48: {  	_ =	shalt  }
0x49: {  	_ =	shalt  }
0x4a: {  	_ =	shalt  }
0x4b: {  	_ =	shalt  }
0x4c: {  	_ =	shalt  }
0x4d: {  	_ =	shalt  }
0x4e: {  	_ =	shalt  }
0x4f: {  	_ =	shalt  }
0x50: {  	_ =	shalt  }
0x51: {  	_ =	shalt  }
0x52: {  	_ =	shalt  }
0x53: {  	_ =	shalt  }
0x54: {  	_ =	shalt  }
0x55: {  	_ =	shalt  }
0x56: {  	_ =	shalt  }
0x57: {  	_ =	shalt  }
0x58: {  	_ =	shalt  }
0x59: {  	_ =	shalt  }
0x5a: {  	_ =	shalt  }
0x5b: {  	_ =	shalt  }
0x5c: {  	_ =	shalt  }
0x5d: {  	_ =	shalt  }
0x5e: {  	_ =	shalt  }
0x5f: {  	_ =	shalt  }
0x60: {  	_ =	shalt  }
0x61: {  	_ =	shalt  }
0x62: {  	_ =	shalt  }
0x63: {  	_ =	shalt  }
0x64: {  	_ =	shalt  }
0x65: {  	_ =	shalt  }
0x66: {  	_ =	shalt  }
0x67: {  	_ =	shalt  }
0x68: {  	_ =	shalt  }
0x69: {  	_ =	shalt  }
0x6a: {  	_ =	shalt  }
0x6b: {  	_ =	shalt  }
0x6c: {  	_ =	shalt  }
0x6d: {  	_ =	shalt  }
0x6e: {  	_ =	shalt  }
0x6f: {  	_ =	shalt  }
0x70: {  	_ =	shalt  }
0x71: {  	_ =	shalt  }
0x72: {  	_ =	shalt  }
0x73: {  	_ =	shalt  }
0x74: {  	_ =	shalt  }
0x75: {  	_ =	shalt  }
0x76: {  	_ =	shalt  }
0x77: {  	_ =	shalt  }
0x78: {  	_ =	shalt  }
0x79: {  	_ =	shalt  }
0x7a: {  	_ =	shalt  }
0x7b: {  	_ =	shalt  }
0x7c: {  	_ =	shalt  }
0x7d: {  	_ =	shalt  }
0x7e: {  	_ =	shalt  }
0x7f: {  	_ =	shalt  }
0x80: {  	_ =	shalt  }
0x81: {  	_ =	shalt  }
0x82: {  	_ =	shalt  }
0x83: {  	_ =	shalt  }
0x84: {  	_ =	shalt  }
0x85: {  	_ =	shalt  }
0x86: {  	_ =	shalt  }
0x87: {  	_ =	shalt  }
.Lfunc_end0:
.L_simem_size_0:
called_computation.2_lowered:
.L_overlay_start_0:
0x88: {  	s2 =	sld [smem:$0x3FD9]  }
0x89: {  	s3 =	sld [smem:$0x3FFE];
	_ =	sdelay $0x1  }
0x8a: {  	s1 =	srdreg.scid  }
0x8b: {  	s0 =	sand.u32 $0x1, s1  }
0x8c: {  	s14 =	sshll.u32 s0, $0xA;
	s2 =	sadd.s32 s3, s2  }
0x8d: {  	s2 =	sadd.s32 s2, s14  }
0x8e: {  	[smem:$0x3FBF] =	sst s2  }
0x8f: {  	_ = 	snop  }
0x90: {  	s2 =	sld [smem:$0x3FD0];
	_ =	sdelay $0x2  }
0x91: {  	s15 =	simm.s32 $0xA;
	s4 =	simm.s32 $0x10  }
0x92: {  	[smem:s4], [sflag:s15] =	dma.local [hbm:s2], $0x1  }
0x93: {  	_ =	swait.eq [sflag:s15], $0x1  }
0x94: {  	[sflag:s15] =	ssyncset.done $0x0  }
0x95: {  	[sflag:s15] =	ssyncadd.s32 $0xFFFFFFFF  }
0x96: {  	s16 =	sld [smem:$0x11];
	(tm) =	ssettm $0x1  }
0x97: {  	s17 =	sld [smem:$0x3FFB];
	_ =	sdelay $0x3  }
0x98: {  	_ =	strace s17  }
0x99: {  	s3 =	sld [smem:$0x3FFC];
	_ =	sdelay $0x3  }
0x9a: {  	_ =	strace s3  }
0x9b: {  	s3 =	sld [smem:$0x3FFD];
	_ =	sdelay $0x3  }
0x9c: {  	_ =	strace s3  }
0x9d: {  	_ =	strace $0x8FFFFFFF  }
0x9e: {  	s18 =	sld [smem:$0x3FDB];
	_ =	sdelay $0x1  }
0x9f: {  	s19 =	simm.s32 $_scs_section_size  }
0xa0: {  	s5 =	simm.s32 $_size__tile_overlayer_lowered;
	s6 =	simm.s32 $_tile_overlayer_lowered  }
0xa1: {  	s22 =	simm.s32 $0x1BFF;
	s21 =	sshll.u32 s6, $0x1;
	s3 =	sadd.s32 s19, s18  }
0xa2: {  	s7 =	simm.s32 $0x0;
	s20 =	sshll.u32 s5, $0x1;
	s5 =	sadd.s32 s21, s3  }
0xa3: {  	[timem:s7], [sflag:s22] =	dma.local [hbm:s5], s20  }
0xa4: {  	_ =	swait.ge [sflag:s22], s20  }
0xa5: {  	s4 =	ssub.s32 $0x0, s20;
	[sflag:s22] =	ssyncset.done $0x0  }
0xa6: {  	[sflag:s22] =	ssyncadd.s32 s4;
	_ =	sdelay $0x1  }
0xa7: {  	s23 =	simm.s32 $0x1B8B  }
0xa8: {  	_ =	swait.ge [sflag:s23], $0x1  }
0xa9: {  	[sflag:s23] =	ssyncset.done $0x0  }
0xaa: {  	s25 =	simm.s32 $0x1B8E;
	s24 =	sld [smem:$0x3FFE];
	[sflag:s23] =	ssyncadd.s32 $0xFFFFFFFF  }
0xab: {  	s26 =	simm.s32 $execute0_lowered;
	[smem:$0x3FD2] =	sst s25  }
0xac: {  	s5 =	sshll.u32 s26, $0x1;
	_ =	strace $0x8000004C;
	[dreg:$0x1] =	wrdreg $0xFFFFFFFF  }
0xad: {  	s28 =	simm.s32 $_size_execute0_lowered;
	s3 =	sadd.s32 s3, s5;
	[dreg:$0x0] =	wrdreg $0x0  }
0xae: {  	s5 =	sshll.u32 s28, $0x1;
	[dreg:$0x2] =	wrdreg s3  }
0xaf: {  	[dreg:$0x3] =	wrdreg s5  }
0xb0: {  	[dreg:$0x4] =	wrdreg $0xC0  }
0xb1: {  	_ =	task [dreg:s7], $0x5FFFF  }
0xb2: {  	[dreg:$0x1] =	wrdreg $0xFFFFFFFF  }
0xb3: {  	[dreg:$0x0] =	wrdreg $0x60  }
0xb4: {  	[dreg:$0x2] =	wrdreg s24  }
0xb5: {  	[dreg:$0x3] =	wrdreg s16  }
0xb6: {  	[dreg:$0x4] =	wrdreg $0x0  }
0xb7: {  	[dreg:$0x5] =	wrdreg $0x9  }
0xb8: {  	_ =	task.clear_ibuf [dreg:s7], $0x6FFFF;
	_ =	strace $0x9000004C  }
0xb9: {  	s29 =	simm.s32 $0x9;
	_ =	strace $0x8000004E  }
0xba: {  	_ =	swait.ge [sflag:s29], $0x1  }
0xbb: {  	[sflag:s29] =	ssyncadd.s32 $0xFFFFFFFF  }
0xbc: {  	_ =	strace $0x9000004E  }
0xbd: {  	_ =	sfence  }
0xbe: {  	s30 =	sld [smem:$0x0];
	_ =	sdelay $0x2  }
0xbf: {  	s31 =	sshll.u32 s1, $0xD;
	s1 =	sshrl.u32 s1, $0x2  }
0xc0: {  	s3 =	sand.u32 $0x4000, s31;
	s1 =	sadd.s32 s1, s30  }
0xc1: {  	s0 =	sor.u32 s3, s0;
	s1 =	sshll.u32 s1, $0x11  }
0xc2: {  	s0 =	sor.u32 s1, s0  }
0xc3: {  	s0 =	sadd.s32 $0x8F2B, s0  }
0xc4: {  	[sflag:s0] =	ssyncadd.remote.s32 $0x1  }
0xc5: {  	_ =	sfence.sel $0xFFFF  }
0xc6: {  	[dreg:$0x0] =	wrdreg $0xFFFFFFFF;
	(pc) =	sbr.abs _section_cstart, $3  }
0xc7: {  	[dreg:$0x1] =	wrdreg $0xFFFFFFFF  }
0xc8: {  	_ =	task.clear_ibuf [dreg:s7], $0x2FFFF;
	_ =	strace $0x9FFFFFFF  }
0xc9: {  	(tm) =	ssettm $0x7FFFFFFF  }
tec
execute0_lowered:
.L_overlay_start_1:
0x0: {  	(tag) =	ssettag $0x1  }
0x1: {  	s8 =	rddreg [dreg:$0x0]  }
0x2: {  	s1 =	rddreg [dreg:$0x1]  }
0x3: {  	s2 =	rddreg [dreg:$0x2]  }
0x4: {  	s3 =	srdreg.scid;
	s0 =	rddreg [dreg:$0x3]  }
0x5: {  	s4 =	simm.s32 $0x0;
	s16 =	simm.s32 $0x18100;
	s17 =	simm.s32 $0x2  }
0x6: {  	s18 =	simm.s32 $0x14000;
	s19 =	simm.s32 $0x14080;
	s20 =	simm.s32 $0x80  }
0x7: {  	s21 =	simm.s32 $0x14100;
	s22 =	simm.s32 $0x1;
	s9 =	sand.u32 $0x1, s3  }
0x8: {  	s25 =	simm.s32 $0x0;
	s3 =	stileid.u32;
	s10 =	smul.u32 $0x140000, s9  }
0x9: {  	[smem:$0x7FF] =	sst s4;
	s5 =	sadd.s32 $0x17800, s8;
	s11 =	smul.u32 $0x14000, s3  }
0xa: {  	s6 =	sadd.s32 $0xD800, s8;
	s7 =	sadd.s32 $0x3800, s8;
	s31 =	smul.u32 $0x50000, s3  }
0xb: {  	_ =	strace $0x8000004D;
	s12 =	ssub.s32 $0x2, s9;
	s9 =	smul.u32 $0x28000, s9  }
0xc: {  	s14 =	smul.u32 $0x2800, s3;
	s23 =	sshll.u32 s3, $0x6;
	s13 =	sshrl.u32 s12, $0x1  }
0xd: {  	s23 =	sor.u32 $0x1C02, s23;
	s10 =	sadd.s32 s11, s10;
	s11 =	sshrl.u32 s31, $0x2  }
0xe: {  	s12 =	ssub.s32 s12, s13;
	s9 =	sadd.s32 s14, s9;
	s10 =	sshrl.u32 s10, $0x3  }
0xf: {  	s10 =	sadd.s32 s10, s8;
	s8 =	sadd.s32 s11, s2;
	s11 =	smax.u32 s12, $0x1  }
0x10: {  	s10 =	sadd.s32 $0x3EA00, s10;
	s12 =	sadd.s32 $0x4000, s8;
	s13 =	sadd.s32 $0x8000, s8  }
0x11: {  	s14 =	sadd.s32 $0xC000, s8;
	s15 =	sadd.s32 $0x10000, s8;
	s24 =	sshrl.u32 s8, $0x3  }
.LBB2_1:
0x12: {  	[tilespmem:s16], [sflag:$0x2] =	stream.linear.gather [hbm4b:s1+s4], $0x4000, $0x38;
	[tilespmem:$0x1C100] =	vst v63  }
0x13: {  	_ =	swait.ge [sflag:s17], $0x4000  }
0x14: {  	[sflag:s17] =	ssyncset.done $0x0  }
0x15: {  	[sflag:s17] =	ssyncadd.s32 $0xFFFFC000  }
0x16: {  	[spmem:s8] =	stream.linear.scatter [tilespmem:s16], [sflag:$0x2], $0x4000, $0x38;
	[tilespmem:$0x1C100] =	vst v63  }
0x17: {  	_ =	swait.ge [sflag:s17], $0x4000  }
0x18: {  	[sflag:s17] =	ssyncset.done $0x0  }
0x19: {  	[sflag:s17] =	ssyncadd.s32 $0xFFFFC000  }
0x1a: {  	[spmem:s12] =	stream.linear.scatter [tilespmem:s16], [sflag:$0x2], $0x4000, $0x38;
	[tilespmem:$0x1C100] =	vst v63  }
0x1b: {  	_ =	swait.ge [sflag:s17], $0x4000  }
0x1c: {  	[sflag:s17] =	ssyncset.done $0x0  }
0x1d: {  	[sflag:s17] =	ssyncadd.s32 $0xFFFFC000  }
0x1e: {  	[spmem:s13] =	stream.linear.scatter [tilespmem:s16], [sflag:$0x2], $0x4000, $0x38;
	[tilespmem:$0x1C100] =	vst v63  }
0x1f: {  	_ =	swait.ge [sflag:s17], $0x4000  }
0x20: {  	[sflag:s17] =	ssyncset.done $0x0  }
0x21: {  	[sflag:s17] =	ssyncadd.s32 $0xFFFFC000  }
0x22: {  	[spmem:s14] =	stream.linear.scatter [tilespmem:s16], [sflag:$0x2], $0x4000, $0x38;
	[tilespmem:$0x1C100] =	vst v63  }
0x23: {  	_ =	swait.ge [sflag:s17], $0x4000  }
0x24: {  	[sflag:s17] =	ssyncset.done $0x0  }
0x25: {  	s26 =	sand.u32 $0x3C00, s4;
	[sflag:s17] =	ssyncadd.s32 $0xFFFFC000  }
0x26: {  	[spmem:s15] =	stream.linear.scatter [tilespmem:s16], [sflag:$0x2], $0x4000, $0x38;
	[tilespmem:$0x1C100] =	vst v63  }
0x27: {  	s28 =	sand.u32 $0x380, s4;
	s26 =	sadd.s32 s26, s9;
	_ =	swait.ge [sflag:s17], $0x4000  }
0x28: {  	s26 =	sor.u32 s28, s26;
	[sflag:s17] =	ssyncset.done $0x0  }
0x29: {  	s26 =	sshrl.u32 s26, $0x3;
	[sflag:s17] =	ssyncadd.s32 $0xFFFFC000  }
0x2a: {  	s28 =	sadd.s32 s6, s26;
	[bflag:$0x0] =	sbarrier.arrive $0xFFFF  }
0x2b: {  	[tilespmem:s18], [sflag:$0x2] =	stream.linear.gather [hbm4b:s28+s4], $0x80, $0x38;
	[tilespmem:$0x1C100] =	vst v63  }
0x2c: {  	_ =	swait.ge [sflag:s17], $0x80  }
0x2d: {  	[sflag:s17] =	ssyncset.done $0x0  }
0x2e: {  	s26 =	sadd.s32 s7, s26;
	[sflag:s17] =	ssyncadd.s32 $0xFFFFFF80  }
0x2f: {  	[tilespmem:s19], [sflag:$0x2] =	stream.linear.gather [hbm4b:s26+s4], $0x80, $0x38;
	[tilespmem:$0x1C100] =	vst v63  }
0x30: {  	_ =	swait.ge [sflag:s17], $0x80  }
0x31: {  	[sflag:s17] =	ssyncset.done $0x0  }
0x32: {  	[sflag:s17] =	ssyncadd.s32 $0xFFFFFF80  }
0x33: {  	[tilespmem:s21], [sflag:$0x1] =	stream.indirect.gather [hbm4b:s5+s20], $0x80, s18, s20, $0xb8;
	[tilespmem:$0x1C100] =	vst v63  }
0x34: {  	_ =	swait.ge [sflag:s22], $0x4000  }
0x35: {  	s31 =	simm.s32 $0x80;
	[sflag:s22] =	ssyncset.done $0x0  }
0x36: {  	s28 =	sand.u32 $0x3C00, s31;
	[sflag:s22] =	ssyncadd.s32 $0xFFFFC000  }
0x37: {  	[spmem:s2] =	stream.indirect.scatter.add.f32 [tilespmem:s21], [sflag:$0x2], $0x80, s19, s20, $0xb8;
	[tilespmem:$0x1C100] =	vst v63  }
0x38: {  	s29 =	sand.u32 $0x380, s31;
	s28 =	sadd.s32 s28, s9;
	_ =	swait.ge [sflag:s17], $0x4000  }
0x39: {  	s28 =	sor.u32 s29, s28;
	s26 =	simm.s32 $0x100;
	[sflag:s17] =	ssyncset.done $0x0  }
.LBB2_2:
0x3a: {  	s28 =	sshrl.u32 s28, $0x3  }
0x3b: {  	[sflag:s17] =	ssyncadd.s32 $0xFFFFC000;
	s29 =	smov.u32 s26;
	s30 =	sadd.s32 $0x80, s26  }
0x3c: {  	p0 =	sne.s32 s26, $0x2780;
	s26 =	sadd.s32 s6, s28  }
0x3d: {  	[tilespmem:s18], [sflag:$0x2] =	stream.linear.gather [hbm4b:s26+s4], $0x80, $0x38;
	[tilespmem:$0x1C100] =	vst v63  }
0x3e: {  	_ =	swait.ge [sflag:s17], $0x80  }
0x3f: {  	[sflag:s17] =	ssyncset.done $0x0  }
0x40: {  	s26 =	sadd.s32 s7, s28;
	[sflag:s17] =	ssyncadd.s32 $0xFFFFFF80  }
0x41: {  	[tilespmem:s19], [sflag:$0x2] =	stream.linear.gather [hbm4b:s26+s4], $0x80, $0x38;
	[tilespmem:$0x1C100] =	vst v63  }
0x42: {  	_ =	swait.ge [sflag:s17], $0x80  }
0x43: {  	[sflag:s17] =	ssyncset.done $0x0  }
0x44: {  	[sflag:s17] =	ssyncadd.s32 $0xFFFFFF80  }
0x45: {  	[tilespmem:s21], [sflag:$0x1] =	stream.indirect.gather [hbm4b:s5+s20], $0x80, s18, s20, $0xb8;
	[tilespmem:$0x1C100] =	vst v63  }
0x46: {  	_ =	swait.ge [sflag:s22], $0x4000  }
.Ltmp0:
0x47: {  	[sflag:s22] =	ssyncset.done $0x0;
	(pc) =	sbr.rel @p0 .LBB2_2-.Ltmp0, $4  }
0x48: {  	s26 =	sand.u32 $0x3C00, s29;
	[sflag:s22] =	ssyncadd.s32 $0xFFFFC000  }
0x49: {  	[spmem:s2] =	stream.indirect.scatter.add.f32 [tilespmem:s21], [sflag:$0x2], $0x80, s19, s20, $0xb8;
	[tilespmem:$0x1C100] =	vst v63  }
0x4a: {  	s28 =	sand.u32 $0x380, s29;
	s26 =	sadd.s32 s26, s9;
	_ =	swait.ge [sflag:s17], $0x4000  }
0x4b: {  	s28 =	sor.u32 s28, s26;
	s26 =	smov.u32 s30;
	[sflag:s17] =	ssyncset.done $0x0  }
0x4c: {  	s26 =	sshrl.u32 s28, $0x3  }
0x4d: {  	[sflag:s17] =	ssyncadd.s32 $0xFFFFC000;
	s28 =	sadd.s32 s6, s26  }
0x4e: {  	[tilespmem:s18], [sflag:$0x2] =	stream.linear.gather [hbm4b:s28+s4], $0x80, $0x38;
	[tilespmem:$0x1C100] =	vst v63  }
0x4f: {  	_ =	swait.ge [sflag:s17], $0x80  }
0x50: {  	[sflag:s17] =	ssyncset.done $0x0  }
0x51: {  	s26 =	sadd.s32 s7, s26;
	[sflag:s17] =	ssyncadd.s32 $0xFFFFFF80  }
0x52: {  	[tilespmem:s19], [sflag:$0x2] =	stream.linear.gather [hbm4b:s26+s4], $0x80, $0x38;
	[tilespmem:$0x1C100] =	vst v63  }
0x53: {  	_ =	swait.ge [sflag:s17], $0x80  }
0x54: {  	[sflag:s17] =	ssyncset.done $0x0  }
0x55: {  	[sflag:s17] =	ssyncadd.s32 $0xFFFFFF80  }
0x56: {  	[tilespmem:s21], [sflag:$0x1] =	stream.indirect.gather [hbm4b:s5+s20], $0x80, s18, s20, $0xb8;
	[tilespmem:$0x1C100] =	vst v63  }
0x57: {  	_ =	swait.ge [sflag:s22], $0x4000  }
0x58: {  	[sflag:s22] =	ssyncset.done $0x0  }
0x59: {  	[sflag:s22] =	ssyncadd.s32 $0xFFFFC000  }
0x5a: {  	[spmem:s2] =	stream.indirect.scatter.add.f32 [tilespmem:s21], [sflag:$0x2], $0x80, s19, s20, $0xb8;
	[tilespmem:$0x1C100] =	vst v63  }
0x5b: {  	_ =	swait.ge [sflag:s17], $0x4000  }
0x5c: {  	s25 =	sadd.s32 $0x1, s25;
	[sflag:s17] =	ssyncset.done $0x0  }
0x5d: {  	p0 =	sne.s32 s25, s11;
	[sflag:s17] =	ssyncadd.s32 $0xFFFFC000  }
.Ltmp1:
0x5e: {  	[bflag:$0x0] =	sbarrier.arrive $0xFFFF;
	(pc) =	sbr.rel @p0 .LBB2_1-.Ltmp1, $4  }
0x5f: {  	[hbm:s10], [sflag:s23] =	dma.local [spmem:s24], $0x2800  }
0x60: {  	_ =	swait.ge [sflag:s17], $0x2800  }
0x61: {  	[sflag:s17] =	ssyncset.done $0x0  }
0x62: {  	[sflag:s17] =	ssyncadd.s32 $0xFFFFD800  }
0x63: {  	_ =	sfence.sel $0x180000  }
0x64: {  	[bflag:$0x0] =	sbarrier.arrive $0xFFFF  }
0x65: {  	p0 =	sne.s32 s3, $0x0;
	_ =	strace $0x9000004D  }
0x66: {  	s0 =	sadd.s32 @!p0 $0x100000, s0;
	[bflag:$0x2] =	sbarrier.arrive $0xFFFF  }
0x67: {  	[sflag:s0] =	ssyncadd.tile.s32 @!p0 $0x1;
	_ =	shalt  }
.Lfunc_end2:
_tile_overlayer_lowered:
.L_overlay_start_2:
0x68: {  	(tag) =	ssettag $0x2  }
0x69: {  	s0 =	rddreg [dreg:$0x0];
	s2 =	stileid.u32  }
0x6a: {  	s1 =	rddreg [dreg:$0x1];
	p0 =	sne.s32 s2, $0x0  }
0x6b: {  	s3 =	rddreg [dreg:$0x2];
	[bflag:$0x3] =	sbarrier.arrive $0xFFFF;
	s2 =	simm.s32 @!p0 $0x1C02  }
0x6c: {  	[timem:s3], [sflag:s2] =	dma.local @!p0 [hbm:s0], s1  }
0x6d: {  	s0 =	simm.s32 @!p0 $0x2  }
0x6e: {  	_ =	swait.ge @!p0 [sflag:s0], s1  }
0x6f: {  	s1 =	ssub.s32 @!p0 $0x0, s1;
	[sflag:s0] =	ssyncset.done @!p0 $0x0  }
0x70: {  	[sflag:s0] =	ssyncadd.s32 @!p0 s1  }
0x71: {  	[bflag:$0x3] =	sbarrier.arrive $0xFFFF  }
0x72: {  	_ =	shalt  }

// kernel: kernel.20.cloned.1.call-start
scs
__scs_entry_jumppad:
0x0: {  	(pc) =	sbr.rel $0x88, $3  }
0x1: {  	(tag) =	ssettag $0x0;
	lr =	simm.s32 $0x1  }
0x2: {  	[smem:$0x3F98] =	sst lr;
	_ =	strace $0xD0000000  }
0x3: {  	_ = 	snop  }
0x4: {  	_ = 	snop  }
0x5: {  	_ = 	snop  }
0x6: {  	_ = 	snop  }
0x7: {  	_ = 	snop  }
__scs_overlays_trampoline_lowered:
0x8: {  	[smem:$0x3FA7] =	sst s0  }
0x9: {  	[smem:$0x3FA8] =	sst s1  }
0xa: {  	[smem:$0x3FA9] =	sst s2  }
0xb: {  	[smem:$0x3FAA] =	sst s3  }
0xc: {  	[smem:$0x3FAB] =	sst s4  }
0xd: {  	[smem:$0x3FAC] =	sst s5  }
0xe: {  	[smem:$0x3FAD] =	sst s6  }
0xf: {  	[smem:$0x3FAE] =	sst s7  }
0x10: {  	[smem:$0x3FAF] =	sst s8  }
0x11: {  	[smem:$0x3FB0] =	sst s9;
	s0 =	simm.s32 @!p0 $0x0  }
0x12: {  	s1 =	sld [smem:$0x3F96];
	s0 =	simm.s32 @p0 $0x1  }
0x13: {  	[smem:$0x3FB1] =	sst s0;
	s0 =	simm.s32 @!p1 $0x0  }
0x14: {  	s2 =	sld [smem:$0x3F95];
	s0 =	simm.s32 @p1 $0x1  }
0x15: {  	[smem:$0x3FB2] =	sst s0;
	s0 =	simm.s32 @!p2 $0x0  }
0x16: {  	s3 =	sld [smem:$0x3FDB];
	s0 =	simm.s32 @p2 $0x1  }
0x17: {  	s4 =	simm.s32 $0x1BF5;
	[smem:$0x3FB4] =	sst s0  }
0x18: {  	s0 =	sld [smem:$0x3F97];
	_ =	swait.ge [sflag:s4], $0x0  }
0x19: {  	s7 =	sld [smem:$0x3F98]  }
0x1a: {  	s8 =	sadd.s32 $0xFFFFE003, lr  }
0x1b: {  	s9 =	sadd.s32 $0xFFFFFEF7, lr;
	s5 =	simm.s32 $0xFFFFFFFF;
	p2 =	slt.u32 s8, $0xFFFFF086  }
0x1c: {  	p1 =	slt.u32 s9, $0xF7A;
	s5 =	simm.s32 @!p2 $0x0  }
0x1d: {  	s5 =	simm.s32 @p1 $0x1;
	p0 =	seq.s32 s7, s2  }
0x1e: {  	s7 =	smul.u32 @!p0 $0xF7A, s2;
	p2 =	seq.s32 @!p0 s5, $0x0  }
0x1f: {  	s9 =	smul.u32 $0xF7A, s1;
	s8 =	simm.s32 @!p0 $0x1BF5;
	p2 =	por !p2, p0  }
0x20: {  	[sflag:s8] =	ssyncset.s32 @!p0 $0xFFFFF086;
	s6 =	sadd.s32 @!p0 s3, s7;
	s7 =	simm.s32 @!p0 $0x108  }
0x21: {  	s3 =	sadd.s32 s3, s9;
	s6 =	sadd.s32 @!p0 $0x88, s6;
	s7 =	simm.s32 @p2 $0x1082  }
0x22: {  	[simem:s7], [sflag:s8] =	dma.local @!p0 [hbm:s6], $0xF7A  }
0x23: {  	s9 =	sor.u32 $0xD0000000, s2;
	s6 =	simm.s32 $0x108;
	_ =	swait.ge @!p0 [sflag:s8], $0x0  }
0x24: {  	s3 =	sadd.s32 $0x88, s3;
	s6 =	simm.s32 @!p1 $0x1082;
	[sflag:s4] =	ssyncset.s32 $0xFFFFF086  }
0x25: {  	[simem:s6], [sflag:s4] =	dma.local [hbm:s3], $0xF7A  }
0x26: {  	[smem:$0x3F98] =	sst s1;
	(tag) =	ssettag s2;
	_ =	strace s9  }
0x27: {  	s1 =	sld [smem:$0x3FA8]  }
0x28: {  	s2 =	sld [smem:$0x3FA9]  }
0x29: {  	s4 =	sld [smem:$0x3FAB]  }
0x2a: {  	p0 =	seq.s32 s5, $0x0;
	s5 =	sld [smem:$0x3FAC]  }
0x2b: {  	s6 =	sld [smem:$0x3FAD]  }
0x2c: {  	s7 =	sld [smem:$0x3FAE]  }
0x2d: {  	s3 =	simm.s32 $0x108;
	s8 =	sld [smem:$0x3FAF]  }
0x2e: {  	s3 =	simm.s32 @!p0 $0x1082;
	s9 =	sld [smem:$0x3FB0]  }
0x2f: {  	lr =	sadd.s32 s0, s3;
	s0 =	sld [smem:$0x3FA7]  }
0x30: {  	s3 =	sld [smem:$0x3FAA]  }
0x31: {  	[smem:$0x3FB3] =	sst s10  }
0x32: {  	s10 =	sld [smem:$0x3FB1];
	_ =	sdelay $0x3  }
0x33: {  	p0 =	seq.s32 s10, $0x1;
	s10 =	sld [smem:$0x3FB3];
	_ =	sdelay $0x3  }
0x34: {  	[smem:$0x3FB3] =	sst s10  }
0x35: {  	s10 =	sld [smem:$0x3FB2];
	_ =	sdelay $0x3  }
0x36: {  	p1 =	seq.s32 s10, $0x1;
	s10 =	sld [smem:$0x3FB3];
	_ =	sdelay $0x3  }
0x37: {  	[smem:$0x3FB3] =	sst s10  }
0x38: {  	s10 =	sld [smem:$0x3FB4]  }
0x39: {  	_ = 	snop;
	(pc) =	sbr.ind lr, $3  }
0x3a: {  	_ = 	snop  }
0x3b: {  	_ = 	snop  }
0x3c: {  	p2 =	seq.s32 s10, $0x1;
	s10 =	sld [smem:$0x3FB3]  }
0x3d: {  	_ =	shalt  }
0x3e: {  	_ =	shalt  }
0x3f: {  	_ =	shalt  }
0x40: {  	_ =	shalt  }
0x41: {  	_ =	shalt  }
0x42: {  	_ =	shalt  }
0x43: {  	_ =	shalt  }
0x44: {  	_ =	shalt  }
0x45: {  	_ =	shalt  }
0x46: {  	_ =	shalt  }
0x47: {  	_ =	shalt  }
0x48: {  	_ =	shalt  }
0x49: {  	_ =	shalt  }
0x4a: {  	_ =	shalt  }
0x4b: {  	_ =	shalt  }
0x4c: {  	_ =	shalt  }
0x4d: {  	_ =	shalt  }
0x4e: {  	_ =	shalt  }
0x4f: {  	_ =	shalt  }
0x50: {  	_ =	shalt  }
0x51: {  	_ =	shalt  }
0x52: {  	_ =	shalt  }
0x53: {  	_ =	shalt  }
0x54: {  	_ =	shalt  }
0x55: {  	_ =	shalt  }
0x56: {  	_ =	shalt  }
0x57: {  	_ =	shalt  }
0x58: {  	_ =	shalt  }
0x59: {  	_ =	shalt  }
0x5a: {  	_ =	shalt  }
0x5b: {  	_ =	shalt  }
0x5c: {  	_ =	shalt  }
0x5d: {  	_ =	shalt  }
0x5e: {  	_ =	shalt  }
0x5f: {  	_ =	shalt  }
0x60: {  	_ =	shalt  }
0x61: {  	_ =	shalt  }
0x62: {  	_ =	shalt  }
0x63: {  	_ =	shalt  }
0x64: {  	_ =	shalt  }
0x65: {  	_ =	shalt  }
0x66: {  	_ =	shalt  }
0x67: {  	_ =	shalt  }
0x68: {  	_ =	shalt  }
0x69: {  	_ =	shalt  }
0x6a: {  	_ =	shalt  }
0x6b: {  	_ =	shalt  }
0x6c: {  	_ =	shalt  }
0x6d: {  	_ =	shalt  }
0x6e: {  	_ =	shalt  }
0x6f: {  	_ =	shalt  }
0x70: {  	_ =	shalt  }
0x71: {  	_ =	shalt  }
0x72: {  	_ =	shalt  }
0x73: {  	_ =	shalt  }
0x74: {  	_ =	shalt  }
0x75: {  	_ =	shalt  }
0x76: {  	_ =	shalt  }
0x77: {  	_ =	shalt  }
0x78: {  	_ =	shalt  }
0x79: {  	_ =	shalt  }
0x7a: {  	_ =	shalt  }
0x7b: {  	_ =	shalt  }
0x7c: {  	_ =	shalt  }
0x7d: {  	_ =	shalt  }
0x7e: {  	_ =	shalt  }
0x7f: {  	_ =	shalt  }
0x80: {  	_ =	shalt  }
0x81: {  	_ =	shalt  }
0x82: {  	_ =	shalt  }
0x83: {  	_ =	shalt  }
0x84: {  	_ =	shalt  }
0x85: {  	_ =	shalt  }
0x86: {  	_ =	shalt  }
0x87: {  	_ =	shalt  }
.Lfunc_end0:
.L_simem_size_0:
called_computation.3_lowered:
.L_overlay_start_0:
0x88: {  	s2 =	sld [smem:$0x3FD9]  }
0x89: {  	s3 =	sld [smem:$0x3FFE];
	_ =	sdelay $0x1  }
0x8a: {  	s1 =	srdreg.scid  }
0x8b: {  	s0 =	sand.u32 $0x1, s1  }
0x8c: {  	s14 =	sshll.u32 s0, $0xA;
	s2 =	sadd.s32 s3, s2  }
0x8d: {  	s2 =	sadd.s32 s2, s14  }
0x8e: {  	[smem:$0x3FBF] =	sst s2  }
0x8f: {  	_ = 	snop  }
0x90: {  	s2 =	sld [smem:$0x3FD0];
	_ =	sdelay $0x2  }
0x91: {  	s15 =	simm.s32 $0xA;
	s4 =	simm.s32 $0x10  }
0x92: {  	[smem:s4], [sflag:s15] =	dma.local [hbm:s2], $0x1  }
0x93: {  	_ =	swait.eq [sflag:s15], $0x1  }
0x94: {  	[sflag:s15] =	ssyncset.done $0x0  }
0x95: {  	[sflag:s15] =	ssyncadd.s32 $0xFFFFFFFF  }
0x96: {  	s16 =	sld [smem:$0x11];
	(tm) =	ssettm $0x1  }
0x97: {  	s17 =	sld [smem:$0x3FFB];
	_ =	sdelay $0x3  }
0x98: {  	_ =	strace s17  }
0x99: {  	s3 =	sld [smem:$0x3FFC];
	_ =	sdelay $0x3  }
0x9a: {  	_ =	strace s3  }
0x9b: {  	s3 =	sld [smem:$0x3FFD];
	_ =	sdelay $0x3  }
0x9c: {  	_ =	strace s3  }
0x9d: {  	_ =	strace $0x8FFFFFFF  }
0x9e: {  	s18 =	sld [smem:$0x3FDB];
	_ =	sdelay $0x1  }
0x9f: {  	s19 =	simm.s32 $_scs_section_size  }
0xa0: {  	s5 =	simm.s32 $_size__tile_overlayer_lowered;
	s6 =	simm.s32 $_tile_overlayer_lowered  }
0xa1: {  	s22 =	simm.s32 $0x1BFF;
	s21 =	sshll.u32 s6, $0x1;
	s3 =	sadd.s32 s19, s18  }
0xa2: {  	s7 =	simm.s32 $0x0;
	s20 =	sshll.u32 s5, $0x1;
	s5 =	sadd.s32 s21, s3  }
0xa3: {  	[timem:s7], [sflag:s22] =	dma.local [hbm:s5], s20  }
0xa4: {  	_ =	swait.ge [sflag:s22], s20  }
0xa5: {  	s4 =	ssub.s32 $0x0, s20;
	[sflag:s22] =	ssyncset.done $0x0  }
0xa6: {  	[sflag:s22] =	ssyncadd.s32 s4;
	_ =	sdelay $0x1  }
0xa7: {  	s23 =	simm.s32 $0x1B8B  }
0xa8: {  	_ =	swait.ge [sflag:s23], $0x1  }
0xa9: {  	[sflag:s23] =	ssyncset.done $0x0  }
0xaa: {  	s25 =	simm.s32 $0x1B8E;
	s24 =	sld [smem:$0x3FFE];
	[sflag:s23] =	ssyncadd.s32 $0xFFFFFFFF  }
0xab: {  	s26 =	simm.s32 $execute0_lowered;
	[smem:$0x3FD2] =	sst s25  }
0xac: {  	s5 =	sshll.u32 s26, $0x1;
	_ =	strace $0x8000004F;
	[dreg:$0x1] =	wrdreg $0xFFFFFFFF  }
0xad: {  	s28 =	simm.s32 $_size_execute0_lowered;
	s3 =	sadd.s32 s3, s5;
	[dreg:$0x0] =	wrdreg $0x0  }
0xae: {  	s5 =	sshll.u32 s28, $0x1;
	[dreg:$0x2] =	wrdreg s3  }
0xaf: {  	[dreg:$0x3] =	wrdreg s5  }
0xb0: {  	[dreg:$0x4] =	wrdreg $0xC0  }
0xb1: {  	_ =	task [dreg:s7], $0x5FFFF  }
0xb2: {  	[dreg:$0x1] =	wrdreg $0xFFFFFFFF  }
0xb3: {  	[dreg:$0x0] =	wrdreg $0x60  }
0xb4: {  	[dreg:$0x2] =	wrdreg s24  }
0xb5: {  	[dreg:$0x3] =	wrdreg s16  }
0xb6: {  	[dreg:$0x4] =	wrdreg $0x0  }
0xb7: {  	[dreg:$0x5] =	wrdreg $0x9  }
0xb8: {  	_ =	task.clear_ibuf [dreg:s7], $0x6FFFF;
	_ =	strace $0x9000004F  }
0xb9: {  	s29 =	simm.s32 $0x9;
	_ =	strace $0x80000051  }
0xba: {  	_ =	swait.ge [sflag:s29], $0x1  }
0xbb: {  	[sflag:s29] =	ssyncadd.s32 $0xFFFFFFFF  }
0xbc: {  	_ =	strace $0x90000051  }
0xbd: {  	_ =	sfence  }
0xbe: {  	s30 =	sld [smem:$0x0];
	_ =	sdelay $0x2  }
0xbf: {  	s31 =	sshll.u32 s1, $0xD;
	s1 =	sshrl.u32 s1, $0x2  }
0xc0: {  	s3 =	sand.u32 $0x4000, s31;
	s1 =	sadd.s32 s1, s30  }
0xc1: {  	s0 =	sor.u32 s3, s0;
	s1 =	sshll.u32 s1, $0x11  }
0xc2: {  	s0 =	sor.u32 s1, s0  }
0xc3: {  	s0 =	sadd.s32 $0x8F2B, s0  }
0xc4: {  	[sflag:s0] =	ssyncadd.remote.s32 $0x1  }
0xc5: {  	_ =	sfence.sel $0xFFFF  }
0xc6: {  	[dreg:$0x0] =	wrdreg $0xFFFFFFFF;
	(pc) =	sbr.abs _section_cstart, $3  }
0xc7: {  	[dreg:$0x1] =	wrdreg $0xFFFFFFFF  }
0xc8: {  	_ =	task.clear_ibuf [dreg:s7], $0x2FFFF;
	_ =	strace $0x9FFFFFFF  }
0xc9: {  	(tm) =	ssettm $0x7FFFFFFF  }
tec
execute0_lowered:
.L_overlay_start_1:
0x0: {  	(tag) =	ssettag $0x1  }
0x1: {  	s8 =	rddreg [dreg:$0x0]  }
0x2: {  	s1 =	rddreg [dreg:$0x1]  }
0x3: {  	s2 =	rddreg [dreg:$0x2]  }
0x4: {  	s3 =	srdreg.scid;
	s0 =	rddreg [dreg:$0x3]  }
0x5: {  	s4 =	simm.s32 $0x0;
	s16 =	simm.s32 $0x18100;
	s17 =	simm.s32 $0x2  }
0x6: {  	s18 =	simm.s32 $0x14000;
	s19 =	simm.s32 $0x14080;
	s20 =	simm.s32 $0x80  }
0x7: {  	s21 =	simm.s32 $0x14100;
	s22 =	simm.s32 $0x1;
	s9 =	sand.u32 $0x1, s3  }
0x8: {  	s25 =	simm.s32 $0x0;
	s3 =	stileid.u32;
	s10 =	smul.u32 $0x140000, s9  }
0x9: {  	[smem:$0x7FF] =	sst s4;
	s5 =	sadd.s32 $0x17800, s8;
	s11 =	smul.u32 $0x14000, s3  }
0xa: {  	s6 =	sadd.s32 $0xD800, s8;
	s7 =	sadd.s32 $0x3800, s8;
	s31 =	smul.u32 $0x50000, s3  }
0xb: {  	_ =	strace $0x80000050;
	s12 =	ssub.s32 $0x2, s9;
	s9 =	smul.u32 $0x28000, s9  }
0xc: {  	s14 =	smul.u32 $0x2800, s3;
	s23 =	sshll.u32 s3, $0x6;
	s13 =	sshrl.u32 s12, $0x1  }
0xd: {  	s23 =	sor.u32 $0x1C02, s23;
	s10 =	sadd.s32 s11, s10;
	s11 =	sshrl.u32 s31, $0x2  }
0xe: {  	s12 =	ssub.s32 s12, s13;
	s9 =	sadd.s32 s14, s9;
	s10 =	sshrl.u32 s10, $0x3  }
0xf: {  	s10 =	sadd.s32 s10, s8;
	s8 =	sadd.s32 s11, s2;
	s11 =	smax.u32 s12, $0x1  }
0x10: {  	s10 =	sadd.s32 $0x3EA00, s10;
	s12 =	sadd.s32 $0x4000, s8;
	s13 =	sadd.s32 $0x8000, s8  }
0x11: {  	s14 =	sadd.s32 $0xC000, s8;
	s15 =	sadd.s32 $0x10000, s8;
	s24 =	sshrl.u32 s8, $0x3  }
.LBB2_1:
0x12: {  	[tilespmem:s16], [sflag:$0x2] =	stream.linear.gather [hbm4b:s1+s4], $0x4000, $0x38;
	[tilespmem:$0x1C100] =	vst v63  }
0x13: {  	_ =	swait.ge [sflag:s17], $0x4000  }
0x14: {  	[sflag:s17] =	ssyncset.done $0x0  }
0x15: {  	[sflag:s17] =	ssyncadd.s32 $0xFFFFC000  }
0x16: {  	[spmem:s8] =	stream.linear.scatter [tilespmem:s16], [sflag:$0x2], $0x4000, $0x38;
	[tilespmem:$0x1C100] =	vst v63  }
0x17: {  	_ =	swait.ge [sflag:s17], $0x4000  }
0x18: {  	[sflag:s17] =	ssyncset.done $0x0  }
0x19: {  	[sflag:s17] =	ssyncadd.s32 $0xFFFFC000  }
0x1a: {  	[spmem:s12] =	stream.linear.scatter [tilespmem:s16], [sflag:$0x2], $0x4000, $0x38;
	[tilespmem:$0x1C100] =	vst v63  }
0x1b: {  	_ =	swait.ge [sflag:s17], $0x4000  }
0x1c: {  	[sflag:s17] =	ssyncset.done $0x0  }
0x1d: {  	[sflag:s17] =	ssyncadd.s32 $0xFFFFC000  }
0x1e: {  	[spmem:s13] =	stream.linear.scatter [tilespmem:s16], [sflag:$0x2], $0x4000, $0x38;
	[tilespmem:$0x1C100] =	vst v63  }
0x1f: {  	_ =	swait.ge [sflag:s17], $0x4000  }
0x20: {  	[sflag:s17] =	ssyncset.done $0x0  }
0x21: {  	[sflag:s17] =	ssyncadd.s32 $0xFFFFC000  }
0x22: {  	[spmem:s14] =	stream.linear.scatter [tilespmem:s16], [sflag:$0x2], $0x4000, $0x38;
	[tilespmem:$0x1C100] =	vst v63  }
0x23: {  	_ =	swait.ge [sflag:s17], $0x4000  }
0x24: {  	[sflag:s17] =	ssyncset.done $0x0  }
0x25: {  	s26 =	sand.u32 $0x3C00, s4;
	[sflag:s17] =	ssyncadd.s32 $0xFFFFC000  }
0x26: {  	[spmem:s15] =	stream.linear.scatter [tilespmem:s16], [sflag:$0x2], $0x4000, $0x38;
	[tilespmem:$0x1C100] =	vst v63  }
0x27: {  	s28 =	sand.u32 $0x380, s4;
	s26 =	sadd.s32 s26, s9;
	_ =	swait.ge [sflag:s17], $0x4000  }
0x28: {  	s26 =	sor.u32 s28, s26;
	[sflag:s17] =	ssyncset.done $0x0  }
0x29: {  	s26 =	sshrl.u32 s26, $0x3;
	[sflag:s17] =	ssyncadd.s32 $0xFFFFC000  }
0x2a: {  	s28 =	sadd.s32 s6, s26;
	[bflag:$0x0] =	sbarrier.arrive $0xFFFF  }
0x2b: {  	[tilespmem:s18], [sflag:$0x2] =	stream.linear.gather [hbm4b:s28+s4], $0x80, $0x38;
	[tilespmem:$0x1C100] =	vst v63  }
0x2c: {  	_ =	swait.ge [sflag:s17], $0x80  }
0x2d: {  	[sflag:s17] =	ssyncset.done $0x0  }
0x2e: {  	s26 =	sadd.s32 s7, s26;
	[sflag:s17] =	ssyncadd.s32 $0xFFFFFF80  }
0x2f: {  	[tilespmem:s19], [sflag:$0x2] =	stream.linear.gather [hbm4b:s26+s4], $0x80, $0x38;
	[tilespmem:$0x1C100] =	vst v63  }
0x30: {  	_ =	swait.ge [sflag:s17], $0x80  }
0x31: {  	[sflag:s17] =	ssyncset.done $0x0  }
0x32: {  	[sflag:s17] =	ssyncadd.s32 $0xFFFFFF80  }
0x33: {  	[tilespmem:s21], [sflag:$0x1] =	stream.indirect.gather [hbm4b:s5+s20], $0x80, s18, s20, $0xb8;
	[tilespmem:$0x1C100] =	vst v63  }
0x34: {  	_ =	swait.ge [sflag:s22], $0x4000  }
0x35: {  	s31 =	simm.s32 $0x80;
	[sflag:s22] =	ssyncset.done $0x0  }
0x36: {  	s28 =	sand.u32 $0x3C00, s31;
	[sflag:s22] =	ssyncadd.s32 $0xFFFFC000  }
0x37: {  	[spmem:s2] =	stream.indirect.scatter.add.f32 [tilespmem:s21], [sflag:$0x2], $0x80, s19, s20, $0xb8;
	[tilespmem:$0x1C100] =	vst v63  }
0x38: {  	s29 =	sand.u32 $0x380, s31;
	s28 =	sadd.s32 s28, s9;
	_ =	swait.ge [sflag:s17], $0x4000  }
0x39: {  	s28 =	sor.u32 s29, s28;
	s26 =	simm.s32 $0x100;
	[sflag:s17] =	ssyncset.done $0x0  }
.LBB2_2:
0x3a: {  	s28 =	sshrl.u32 s28, $0x3  }
0x3b: {  	[sflag:s17] =	ssyncadd.s32 $0xFFFFC000;
	s29 =	smov.u32 s26;
	s30 =	sadd.s32 $0x80, s26  }
0x3c: {  	p0 =	sne.s32 s26, $0x2780;
	s26 =	sadd.s32 s6, s28  }
0x3d: {  	[tilespmem:s18], [sflag:$0x2] =	stream.linear.gather [hbm4b:s26+s4], $0x80, $0x38;
	[tilespmem:$0x1C100] =	vst v63  }
0x3e: {  	_ =	swait.ge [sflag:s17], $0x80  }
0x3f: {  	[sflag:s17] =	ssyncset.done $0x0  }
0x40: {  	s26 =	sadd.s32 s7, s28;
	[sflag:s17] =	ssyncadd.s32 $0xFFFFFF80  }
0x41: {  	[tilespmem:s19], [sflag:$0x2] =	stream.linear.gather [hbm4b:s26+s4], $0x80, $0x38;
	[tilespmem:$0x1C100] =	vst v63  }
0x42: {  	_ =	swait.ge [sflag:s17], $0x80  }
0x43: {  	[sflag:s17] =	ssyncset.done $0x0  }
0x44: {  	[sflag:s17] =	ssyncadd.s32 $0xFFFFFF80  }
0x45: {  	[tilespmem:s21], [sflag:$0x1] =	stream.indirect.gather [hbm4b:s5+s20], $0x80, s18, s20, $0xb8;
	[tilespmem:$0x1C100] =	vst v63  }
0x46: {  	_ =	swait.ge [sflag:s22], $0x4000  }
.Ltmp0:
0x47: {  	[sflag:s22] =	ssyncset.done $0x0;
	(pc) =	sbr.rel @p0 .LBB2_2-.Ltmp0, $4  }
0x48: {  	s26 =	sand.u32 $0x3C00, s29;
	[sflag:s22] =	ssyncadd.s32 $0xFFFFC000  }
0x49: {  	[spmem:s2] =	stream.indirect.scatter.add.f32 [tilespmem:s21], [sflag:$0x2], $0x80, s19, s20, $0xb8;
	[tilespmem:$0x1C100] =	vst v63  }
0x4a: {  	s28 =	sand.u32 $0x380, s29;
	s26 =	sadd.s32 s26, s9;
	_ =	swait.ge [sflag:s17], $0x4000  }
0x4b: {  	s28 =	sor.u32 s28, s26;
	s26 =	smov.u32 s30;
	[sflag:s17] =	ssyncset.done $0x0  }
0x4c: {  	s26 =	sshrl.u32 s28, $0x3  }
0x4d: {  	[sflag:s17] =	ssyncadd.s32 $0xFFFFC000;
	s28 =	sadd.s32 s6, s26  }
0x4e: {  	[tilespmem:s18], [sflag:$0x2] =	stream.linear.gather [hbm4b:s28+s4], $0x80, $0x38;
	[tilespmem:$0x1C100] =	vst v63  }
0x4f: {  	_ =	swait.ge [sflag:s17], $0x80  }
0x50: {  	[sflag:s17] =	ssyncset.done $0x0  }
0x51: {  	s26 =	sadd.s32 s7, s26;
	[sflag:s17] =	ssyncadd.s32 $0xFFFFFF80  }
0x52: {  	[tilespmem:s19], [sflag:$0x2] =	stream.linear.gather [hbm4b:s26+s4], $0x80, $0x38;
	[tilespmem:$0x1C100] =	vst v63  }
0x53: {  	_ =	swait.ge [sflag:s17], $0x80  }
0x54: {  	[sflag:s17] =	ssyncset.done $0x0  }
0x55: {  	[sflag:s17] =	ssyncadd.s32 $0xFFFFFF80  }
0x56: {  	[tilespmem:s21], [sflag:$0x1] =	stream.indirect.gather [hbm4b:s5+s20], $0x80, s18, s20, $0xb8;
	[tilespmem:$0x1C100] =	vst v63  }
0x57: {  	_ =	swait.ge [sflag:s22], $0x4000  }
0x58: {  	[sflag:s22] =	ssyncset.done $0x0  }
0x59: {  	[sflag:s22] =	ssyncadd.s32 $0xFFFFC000  }
0x5a: {  	[spmem:s2] =	stream.indirect.scatter.add.f32 [tilespmem:s21], [sflag:$0x2], $0x80, s19, s20, $0xb8;
	[tilespmem:$0x1C100] =	vst v63  }
0x5b: {  	_ =	swait.ge [sflag:s17], $0x4000  }
0x5c: {  	s25 =	sadd.s32 $0x1, s25;
	[sflag:s17] =	ssyncset.done $0x0  }
0x5d: {  	p0 =	sne.s32 s25, s11;
	[sflag:s17] =	ssyncadd.s32 $0xFFFFC000  }
.Ltmp1:
0x5e: {  	[bflag:$0x0] =	sbarrier.arrive $0xFFFF;
	(pc) =	sbr.rel @p0 .LBB2_1-.Ltmp1, $4  }
0x5f: {  	[hbm:s10], [sflag:s23] =	dma.local [spmem:s24], $0x2800  }
0x60: {  	_ =	swait.ge [sflag:s17], $0x2800  }
0x61: {  	[sflag:s17] =	ssyncset.done $0x0  }
0x62: {  	[sflag:s17] =	ssyncadd.s32 $0xFFFFD800  }
0x63: {  	_ =	sfence.sel $0x180000  }
0x64: {  	[bflag:$0x0] =	sbarrier.arrive $0xFFFF  }
0x65: {  	p0 =	sne.s32 s3, $0x0;
	_ =	strace $0x90000050  }
0x66: {  	s0 =	sadd.s32 @!p0 $0x100000, s0;
	[bflag:$0x2] =	sbarrier.arrive $0xFFFF  }
0x67: {  	[sflag:s0] =	ssyncadd.tile.s32 @!p0 $0x1;
	_ =	shalt  }
.Lfunc_end2:
_tile_overlayer_lowered:
.L_overlay_start_2:
0x68: {  	(tag) =	ssettag $0x2  }
0x69: {  	s0 =	rddreg [dreg:$0x0];
	s2 =	stileid.u32  }
0x6a: {  	s1 =	rddreg [dreg:$0x1];
	p0 =	sne.s32 s2, $0x0  }
0x6b: {  	s3 =	rddreg [dreg:$0x2];
	[bflag:$0x3] =	sbarrier.arrive $0xFFFF;
	s2 =	simm.s32 @!p0 $0x1C02  }
0x6c: {  	[timem:s3], [sflag:s2] =	dma.local @!p0 [hbm:s0], s1  }
0x6d: {  	s0 =	simm.s32 @!p0 $0x2  }
0x6e: {  	_ =	swait.ge @!p0 [sflag:s0], s1  }
0x6f: {  	s1 =	ssub.s32 @!p0 $0x0, s1;
	[sflag:s0] =	ssyncset.done @!p0 $0x0  }
0x70: {  	[sflag:s0] =	ssyncadd.s32 @!p0 s1  }
0x71: {  	[bflag:$0x3] =	sbarrier.arrive $0xFFFF  }
0x72: {  	_ =	shalt  }

</sc_bundles>
